<compile_context>
chip_gen: v7x
topology: tpu7x:2x2x1
jax: 0.10.2.dev20260603
libtpu: 0.0.44.dev20260713+nightly
codegen_flags: <defaults>
</compile_context>

<pallas_src>
import functools

import jax
import jax.numpy as jnp
from jax import lax
from jax.experimental import pallas as pl
from jax.experimental.pallas import tpu as pltpu
from jax.experimental.pallas import tpu_sc as plsc

H = 2048
I = 1024
E = 8
R = 128
TOPK = 2
TM = 256

_SC_INFO = plsc.get_sparse_core_info()
_NC = _SC_INFO.num_cores
_NS = _SC_INFO.num_subcores
_NW = _NC * _NS


def _routing_sc(T):
    tpw = T // _NW
    mesh = plsc.VectorSubcoreMesh(core_axis_name="c", subcore_axis_name="s")

    @functools.partial(
        pl.kernel, mesh=mesh,
        out_type=jax.ShapeDtypeStruct((T * E,), jnp.float32),
        scratch_types=[
            pltpu.VMEM((E * tpw,), jnp.float32),
            pltpu.VMEM((E * tpw,), jnp.float32),
        ],
    )
    def routing(lt_hbm, out_hbm, lbuf, obuf):
        wid = lax.axis_index("s") * _NC + lax.axis_index("c")
        base = wid * tpw
        for e in range(E):
            pltpu.sync_copy(lt_hbm.at[e, pl.ds(base, tpw)],
                            lbuf.at[pl.ds(e * tpw, tpw)])
        for c in range(tpw // 16):
            vs = [lbuf[pl.ds(e * tpw + c * 16, 16)] for e in range(E)]
            mx = vs[0]
            for e in range(1, E):
                mx = jnp.maximum(mx, vs[e])
            ps = [jnp.exp(v - mx) for v in vs]
            s = ps[0]
            for e in range(1, E):
                s = s + ps[e]
            ps = [p / s for p in ps]
            one = jnp.full((16,), 1.0, jnp.float32)
            zero = jnp.full((16,), 0.0, jnp.float32)
            m1 = ps[0]
            for e in range(1, E):
                m1 = jnp.maximum(m1, ps[e])
            seen = zero
            sel1 = []
            for e in range(E):
                is1 = jnp.where(ps[e] == m1, one, zero) * (one - seen)
                seen = seen + is1
                sel1.append(is1)
            qs = [ps[e] - 2.0 * sel1[e] for e in range(E)]
            m2 = qs[0]
            for e in range(1, E):
                m2 = jnp.maximum(m2, qs[e])
            seen2 = zero
            for e in range(E):
                is2 = jnp.where(qs[e] == m2, one, zero) * (one - seen2)
                seen2 = seen2 + is2
                w = ps[e] * (sel1[e] + is2)
                obuf[pl.ds(e * tpw + c * 16, 16)] = w
        pltpu.sync_copy(obuf, out_hbm.at[pl.ds(base * E, tpw * E)])

    return routing


def _mm(a, b):
    return jax.lax.dot_general(
        a, b, (((1,), (1,)), ((), ())), preferred_element_type=jnp.float32
    )


def _moe_body(xb_ref, lg_ref, wd_ref, bgu_ref, allA_ref, gB_ref, uB_ref,
              dA_ref, bd_ref, dB_ref, out_ref, logits_ref):
    logits_ref[...] = lg_ref[...]
    wdense = wd_ref[...]

    bf = jnp.bfloat16
    xb = xb_ref[...].astype(bf)
    GU = _mm(xb, bgu_ref[...])
    AA = _mm(xb, allA_ref[...])
    G0 = GU[:, :I]
    U0 = GU[:, I:]

    Hw = jnp.zeros((TM, I), jnp.float32)
    wads = []
    for e in range(E):
        Ag = AA[:, e * 2 * R:e * 2 * R + R].astype(bf)
        Au = AA[:, e * 2 * R + R:(e + 1) * 2 * R].astype(bf)
        g = G0 + _mm(Ag, gB_ref[e])
        u = U0 + _mm(Au, uB_ref[e])
        h = g * jax.nn.sigmoid(g) * u
        we = wdense[:, e:e + 1]
        Hw = Hw + h * we
        Ad = _mm(h.astype(bf), dA_ref[e])
        wads.append(Ad * we)
    WAd = jnp.concatenate(wads, axis=1).astype(bf)
    d = _mm(Hw.astype(bf), bd_ref[...]) + _mm(WAd, dB_ref[...])
    out_ref[...] = d


def kernel(hidden_states, gate_w, base_gate, base_up, base_down,
           gate_A, gate_B, up_A, up_B, down_A, down_B):
    b, s_len, h = hidden_states.shape
    T = b * s_len
    x = hidden_states.reshape(T, h)
    router_logits = x @ gate_w.T
    wflat = _routing_sc(T)(router_logits.T)
    wdense = wflat.reshape(_NW, E, T // _NW).transpose(0, 2, 1).reshape(T, E)
    bf = jnp.bfloat16
    bgu = jnp.concatenate([base_gate, base_up], axis=0).astype(bf)
    allA = jnp.concatenate([gate_A, up_A], axis=1).reshape(2 * R * E, H).astype(bf)
    dBcat = jnp.transpose(down_B, (1, 0, 2)).reshape(H, E * R).astype(bf)
    full = lambda shape: pl.BlockSpec(shape, lambda i: (0,) * len(shape))
    final, logits = pl.pallas_call(
        _moe_body,
        grid=(T // TM,),
        in_specs=[
            pl.BlockSpec((TM, H), lambda i: (i, 0)),
            pl.BlockSpec((TM, E), lambda i: (i, 0)),
            pl.BlockSpec((TM, E), lambda i: (i, 0)),
            full((2 * I, H)),
            full((2 * R * E, H)),
            full((E, I, R)),
            full((E, I, R)),
            full((E, R, I)),
            full((H, I)),
            full((H, E * R)),
        ],
        out_specs=[
            pl.BlockSpec((TM, H), lambda i: (i, 0)),
            pl.BlockSpec((TM, E), lambda i: (i, 0)),
        ],
        out_shape=[
            jax.ShapeDtypeStruct((T, H), jnp.float32),
            jax.ShapeDtypeStruct((T, E), jnp.float32),
        ],
        compiler_params=pltpu.CompilerParams(
            dimension_semantics=("arbitrary",),
        ),
    )(x, router_logits, wdense, bgu, allA, gate_B.astype(bf),
      up_B.astype(bf), down_A.astype(bf), base_down.astype(bf), dBcat)
    return final.reshape(b, s_len, h), logits

# --- scband reference (transcript-rebuilt; emitter-appended) ---
"""Pipeline reference for scband-prunable-svd-olmoe-sparse-moe-block-wrapper-87239375716709 (READ-ONLY COPY).

The authoritative reference and input builder live on the scoring server;
editing this copy changes nothing except your own understanding.
"""

import jax, jax.numpy as jnp
import numpy as np

H = 2048
I = 1024
E = 8
TOPK = 2
R = 128
NORM_TOPK = False
B = 1
S = 2048


def setup_inputs(seed: int = 0):
    key = jax.random.key(seed)
    ks = jax.random.split(key, 11)
    s = 0.02
    return {
        "hidden_states": jax.random.normal(ks[0], (B, S, H), dtype=jnp.float32),
        "gate_w": jax.random.normal(ks[1], (E, H), dtype=jnp.float32) * s,
        "base_gate": jax.random.normal(ks[2], (I, H), dtype=jnp.float32) * s,
        "base_up": jax.random.normal(ks[3], (I, H), dtype=jnp.float32) * s,
        "base_down": jax.random.normal(ks[4], (H, I), dtype=jnp.float32) * s,
        "gate_A": jax.random.normal(ks[5], (E, R, H), dtype=jnp.float32) * s,
        "gate_B": jax.random.normal(ks[6], (E, I, R), dtype=jnp.float32) * s,
        "up_A": jax.random.normal(ks[7], (E, R, H), dtype=jnp.float32) * s,
        "up_B": jax.random.normal(ks[8], (E, I, R), dtype=jnp.float32) * s,
        "down_A": jax.random.normal(ks[9], (E, R, I), dtype=jnp.float32) * s,
        "down_B": jax.random.normal(ks[10], (E, H, R), dtype=jnp.float32) * s,
    }


def reference(hidden_states, gate_w, base_gate, base_up, base_down, gate_A, gate_B, up_A, up_B, down_A, down_B):
    b, s_len, h = hidden_states.shape
    x = hidden_states.reshape(-1, h)
    router_logits = x @ gate_w.T
    routing_weights = jax.nn.softmax(router_logits.astype(jnp.float32), axis=1)
    top_w, sel = jax.lax.top_k(routing_weights, TOPK)
    if NORM_TOPK:
        top_w = top_w / jnp.sum(top_w, axis=-1, keepdims=True)
    top_w = top_w.astype(x.dtype)
    final = jnp.zeros((b * s_len, h), dtype=x.dtype)
    # expert_mask[e, k, t] == 1 if token t selected expert e at rank k (mirrors one_hot().permute(2,1,0))
    expert_mask = jax.nn.one_hot(sel, E, dtype=jnp.int32).transpose(2, 1, 0)
    for e in range(E):
        # per-token weight: top_w[t, k] if token t selected expert e at rank k, else exactly 0
        w = jnp.sum(expert_mask[e].astype(x.dtype) * top_w.T, axis=0)
        cur = x
        # basenet_forward: shared base proj + per-expert LoRA correction
        g = cur @ base_gate.T + (cur @ gate_A[e].T) @ gate_B[e].T
        u = cur @ base_up.T + (cur @ up_A[e].T) @ up_B[e].T
        hmid = jax.nn.silu(g) * u
        d = hmid @ base_down.T + (hmid @ down_A[e].T) @ down_B[e].T
        out = d * w[:, None]
        final = final + out
    return final.reshape(b, s_len, h), router_logits

if __name__ == "__main__":
    import jax
    _d = setup_inputs()
    print(jax.jit(kernel)(*tuple(_d.values())))

</pallas_src>

<mosaic_0001>
#map = affine_map<(d0, d1) -> (0, 0)>
#map1 = affine_map<(d0, d1) -> (0)>
module attributes {stable_mosaic.version = 14 : i64} {
  func.func @routing(%arg0: i32, %arg1: i32, %arg2: memref<8x2048xf32, #tpu.memory_space<hbm>>, %arg3: memref<16384xf32, #tpu.memory_space<hbm>>, %arg4: memref<512xf32, #tpu.memory_space<vmem>>, %arg5: memref<512xf32, #tpu.memory_space<vmem>>) attributes {dimension_semantics = [#tpu.dimension_semantics<core_parallel>, #tpu.dimension_semantics<subcore_parallel>], iteration_bounds = array<i64: 2, 16>, scalar_prefetch = 0 : i64, scratch_operands = 2 : i64, tpu.core_type = #tpu.core_type<sc_vector_subcore>, window_params = [{transform_indices = #map}, {transform_indices = #map1}]} {
    %mul3A = arith.constant 2 : i32
    %mul3A_0 = arith.muli %arg1, %mul3A : i32
    %add3A = arith.addi %mul3A_0, %arg0 : i32
    %mul3A_1 = arith.constant 64 : i32
    %mul3A_2 = arith.muli %add3A, %mul3A_1 : i32
    %run_scoped3A = arith.constant 0 : i32
    "tpu.region"() ({
      %run_scoped3A_963 = tpu.sem_alloc : memref<!tpu.dma_semaphore, #tpu.memory_space<semaphore_mem>>
      %dma_start3A = arith.constant 0 : i32
      %dma_start3A_964 = tpu.memref_slice %arg4[%dma_start3A] : memref<512xf32, #tpu.memory_space<vmem>> -> memref<64xf32, #tpu.memory_space<vmem>>
      %dma_start3A_965 = tpu.memref_slice %arg2[%run_scoped3A, %mul3A_2] : memref<8x2048xf32, #tpu.memory_space<hbm>> -> memref<1x64xf32, #tpu.memory_space<hbm>>
      %dma_start3A_966 = tpu.memref_squeeze %dma_start3A_965 : memref<1x64xf32, #tpu.memory_space<hbm>> -> memref<64xf32, #tpu.memory_space<hbm>>
      %dma_start3A_967 = arith.constant 0 : i32
      %dma_start3A_968 = tpu.memref_slice %arg4[%dma_start3A_967] : memref<512xf32, #tpu.memory_space<vmem>> -> memref<64xf32, #tpu.memory_space<vmem>>
      %dma_start3A_969 = tpu.memref_slice %arg2[%run_scoped3A, %mul3A_2] : memref<8x2048xf32, #tpu.memory_space<hbm>> -> memref<1x64xf32, #tpu.memory_space<hbm>>
      %dma_start3A_970 = tpu.memref_squeeze %dma_start3A_969 : memref<1x64xf32, #tpu.memory_space<hbm>> -> memref<64xf32, #tpu.memory_space<hbm>>
      tpu.enqueue_dma source(%dma_start3A_970 : memref<64xf32, #tpu.memory_space<hbm>>) target(%dma_start3A_968 : memref<64xf32, #tpu.memory_space<vmem>>) target_semaphore(%run_scoped3A_963 : memref<!tpu.dma_semaphore, #tpu.memory_space<semaphore_mem>>)
      %dma_wait3A = arith.constant 0 : i32
      %dma_wait3A_971 = tpu.memref_slice %arg4[%dma_wait3A] : memref<512xf32, #tpu.memory_space<vmem>> -> memref<64xf32, #tpu.memory_space<vmem>>
      %dma_wait3A_972 = tpu.memref_slice %arg2[%run_scoped3A, %mul3A_2] : memref<8x2048xf32, #tpu.memory_space<hbm>> -> memref<1x64xf32, #tpu.memory_space<hbm>>
      %dma_wait3A_973 = tpu.memref_squeeze %dma_wait3A_972 : memref<1x64xf32, #tpu.memory_space<hbm>> -> memref<64xf32, #tpu.memory_space<hbm>>
      %dma_wait3A_974 = arith.constant 0 : i32
      %dma_wait3A_975 = tpu.memref_slice %arg4[%dma_wait3A_974] : memref<512xf32, #tpu.memory_space<vmem>> -> memref<64xf32, #tpu.memory_space<vmem>>
      %dma_wait3A_976 = tpu.memref_slice %arg2[%run_scoped3A, %mul3A_2] : memref<8x2048xf32, #tpu.memory_space<hbm>> -> memref<1x64xf32, #tpu.memory_space<hbm>>
      %dma_wait3A_977 = tpu.memref_squeeze %dma_wait3A_976 : memref<1x64xf32, #tpu.memory_space<hbm>> -> memref<64xf32, #tpu.memory_space<hbm>>
      tpu.wait_dma2 semaphore(%run_scoped3A_963 : memref<!tpu.dma_semaphore, #tpu.memory_space<semaphore_mem>>) src(%dma_wait3A_977 : memref<64xf32, #tpu.memory_space<hbm>>) dst(%dma_wait3A_975 : memref<64xf32, #tpu.memory_space<vmem>>)
      tpu.yield
    }) : () -> ()
    %run_scoped3A_3 = arith.constant 1 : i32
    "tpu.region"() ({
      %run_scoped3A_963 = tpu.sem_alloc : memref<!tpu.dma_semaphore, #tpu.memory_space<semaphore_mem>>
      %dma_start3A = arith.constant 64 : i32
      %dma_start3A_964 = tpu.memref_slice %arg4[%dma_start3A] : memref<512xf32, #tpu.memory_space<vmem>> -> memref<64xf32, #tpu.memory_space<vmem>>
      %dma_start3A_965 = tpu.memref_slice %arg2[%run_scoped3A_3, %mul3A_2] : memref<8x2048xf32, #tpu.memory_space<hbm>> -> memref<1x64xf32, #tpu.memory_space<hbm>>
      %dma_start3A_966 = tpu.memref_squeeze %dma_start3A_965 : memref<1x64xf32, #tpu.memory_space<hbm>> -> memref<64xf32, #tpu.memory_space<hbm>>
      %dma_start3A_967 = arith.constant 64 : i32
      %dma_start3A_968 = tpu.memref_slice %arg4[%dma_start3A_967] : memref<512xf32, #tpu.memory_space<vmem>> -> memref<64xf32, #tpu.memory_space<vmem>>
      %dma_start3A_969 = tpu.memref_slice %arg2[%run_scoped3A_3, %mul3A_2] : memref<8x2048xf32, #tpu.memory_space<hbm>> -> memref<1x64xf32, #tpu.memory_space<hbm>>
      %dma_start3A_970 = tpu.memref_squeeze %dma_start3A_969 : memref<1x64xf32, #tpu.memory_space<hbm>> -> memref<64xf32, #tpu.memory_space<hbm>>
      tpu.enqueue_dma source(%dma_start3A_970 : memref<64xf32, #tpu.memory_space<hbm>>) target(%dma_start3A_968 : memref<64xf32, #tpu.memory_space<vmem>>) target_semaphore(%run_scoped3A_963 : memref<!tpu.dma_semaphore, #tpu.memory_space<semaphore_mem>>)
      %dma_wait3A = arith.constant 64 : i32
      %dma_wait3A_971 = tpu.memref_slice %arg4[%dma_wait3A] : memref<512xf32, #tpu.memory_space<vmem>> -> memref<64xf32, #tpu.memory_space<vmem>>
      %dma_wait3A_972 = tpu.memref_slice %arg2[%run_scoped3A_3, %mul3A_2] : memref<8x2048xf32, #tpu.memory_space<hbm>> -> memref<1x64xf32, #tpu.memory_space<hbm>>
      %dma_wait3A_973 = tpu.memref_squeeze %dma_wait3A_972 : memref<1x64xf32, #tpu.memory_space<hbm>> -> memref<64xf32, #tpu.memory_space<hbm>>
      %dma_wait3A_974 = arith.constant 64 : i32
      %dma_wait3A_975 = tpu.memref_slice %arg4[%dma_wait3A_974] : memref<512xf32, #tpu.memory_space<vmem>> -> memref<64xf32, #tpu.memory_space<vmem>>
      %dma_wait3A_976 = tpu.memref_slice %arg2[%run_scoped3A_3, %mul3A_2] : memref<8x2048xf32, #tpu.memory_space<hbm>> -> memref<1x64xf32, #tpu.memory_space<hbm>>
      %dma_wait3A_977 = tpu.memref_squeeze %dma_wait3A_976 : memref<1x64xf32, #tpu.memory_space<hbm>> -> memref<64xf32, #tpu.memory_space<hbm>>
      tpu.wait_dma2 semaphore(%run_scoped3A_963 : memref<!tpu.dma_semaphore, #tpu.memory_space<semaphore_mem>>) src(%dma_wait3A_977 : memref<64xf32, #tpu.memory_space<hbm>>) dst(%dma_wait3A_975 : memref<64xf32, #tpu.memory_space<vmem>>)
      tpu.yield
    }) : () -> ()
    %run_scoped3A_4 = arith.constant 2 : i32
    "tpu.region"() ({
      %run_scoped3A_963 = tpu.sem_alloc : memref<!tpu.dma_semaphore, #tpu.memory_space<semaphore_mem>>
      %dma_start3A = arith.constant 128 : i32
      %dma_start3A_964 = tpu.memref_slice %arg4[%dma_start3A] : memref<512xf32, #tpu.memory_space<vmem>> -> memref<64xf32, #tpu.memory_space<vmem>>
      %dma_start3A_965 = tpu.memref_slice %arg2[%run_scoped3A_4, %mul3A_2] : memref<8x2048xf32, #tpu.memory_space<hbm>> -> memref<1x64xf32, #tpu.memory_space<hbm>>
      %dma_start3A_966 = tpu.memref_squeeze %dma_start3A_965 : memref<1x64xf32, #tpu.memory_space<hbm>> -> memref<64xf32, #tpu.memory_space<hbm>>
      %dma_start3A_967 = arith.constant 128 : i32
      %dma_start3A_968 = tpu.memref_slice %arg4[%dma_start3A_967] : memref<512xf32, #tpu.memory_space<vmem>> -> memref<64xf32, #tpu.memory_space<vmem>>
      %dma_start3A_969 = tpu.memref_slice %arg2[%run_scoped3A_4, %mul3A_2] : memref<8x2048xf32, #tpu.memory_space<hbm>> -> memref<1x64xf32, #tpu.memory_space<hbm>>
      %dma_start3A_970 = tpu.memref_squeeze %dma_start3A_969 : memref<1x64xf32, #tpu.memory_space<hbm>> -> memref<64xf32, #tpu.memory_space<hbm>>
      tpu.enqueue_dma source(%dma_start3A_970 : memref<64xf32, #tpu.memory_space<hbm>>) target(%dma_start3A_968 : memref<64xf32, #tpu.memory_space<vmem>>) target_semaphore(%run_scoped3A_963 : memref<!tpu.dma_semaphore, #tpu.memory_space<semaphore_mem>>)
      %dma_wait3A = arith.constant 128 : i32
      %dma_wait3A_971 = tpu.memref_slice %arg4[%dma_wait3A] : memref<512xf32, #tpu.memory_space<vmem>> -> memref<64xf32, #tpu.memory_space<vmem>>
      %dma_wait3A_972 = tpu.memref_slice %arg2[%run_scoped3A_4, %mul3A_2] : memref<8x2048xf32, #tpu.memory_space<hbm>> -> memref<1x64xf32, #tpu.memory_space<hbm>>
      %dma_wait3A_973 = tpu.memref_squeeze %dma_wait3A_972 : memref<1x64xf32, #tpu.memory_space<hbm>> -> memref<64xf32, #tpu.memory_space<hbm>>
      %dma_wait3A_974 = arith.constant 128 : i32
      %dma_wait3A_975 = tpu.memref_slice %arg4[%dma_wait3A_974] : memref<512xf32, #tpu.memory_space<vmem>> -> memref<64xf32, #tpu.memory_space<vmem>>
      %dma_wait3A_976 = tpu.memref_slice %arg2[%run_scoped3A_4, %mul3A_2] : memref<8x2048xf32, #tpu.memory_space<hbm>> -> memref<1x64xf32, #tpu.memory_space<hbm>>
      %dma_wait3A_977 = tpu.memref_squeeze %dma_wait3A_976 : memref<1x64xf32, #tpu.memory_space<hbm>> -> memref<64xf32, #tpu.memory_space<hbm>>
      tpu.wait_dma2 semaphore(%run_scoped3A_963 : memref<!tpu.dma_semaphore, #tpu.memory_space<semaphore_mem>>) src(%dma_wait3A_977 : memref<64xf32, #tpu.memory_space<hbm>>) dst(%dma_wait3A_975 : memref<64xf32, #tpu.memory_space<vmem>>)
      tpu.yield
    }) : () -> ()
    %run_scoped3A_5 = arith.constant 3 : i32
    "tpu.region"() ({
      %run_scoped3A_963 = tpu.sem_alloc : memref<!tpu.dma_semaphore, #tpu.memory_space<semaphore_mem>>
      %dma_start3A = arith.constant 192 : i32
      %dma_start3A_964 = tpu.memref_slice %arg4[%dma_start3A] : memref<512xf32, #tpu.memory_space<vmem>> -> memref<64xf32, #tpu.memory_space<vmem>>
      %dma_start3A_965 = tpu.memref_slice %arg2[%run_scoped3A_5, %mul3A_2] : memref<8x2048xf32, #tpu.memory_space<hbm>> -> memref<1x64xf32, #tpu.memory_space<hbm>>
      %dma_start3A_966 = tpu.memref_squeeze %dma_start3A_965 : memref<1x64xf32, #tpu.memory_space<hbm>> -> memref<64xf32, #tpu.memory_space<hbm>>
      %dma_start3A_967 = arith.constant 192 : i32
      %dma_start3A_968 = tpu.memref_slice %arg4[%dma_start3A_967] : memref<512xf32, #tpu.memory_space<vmem>> -> memref<64xf32, #tpu.memory_space<vmem>>
      %dma_start3A_969 = tpu.memref_slice %arg2[%run_scoped3A_5, %mul3A_2] : memref<8x2048xf32, #tpu.memory_space<hbm>> -> memref<1x64xf32, #tpu.memory_space<hbm>>
      %dma_start3A_970 = tpu.memref_squeeze %dma_start3A_969 : memref<1x64xf32, #tpu.memory_space<hbm>> -> memref<64xf32, #tpu.memory_space<hbm>>
      tpu.enqueue_dma source(%dma_start3A_970 : memref<64xf32, #tpu.memory_space<hbm>>) target(%dma_start3A_968 : memref<64xf32, #tpu.memory_space<vmem>>) target_semaphore(%run_scoped3A_963 : memref<!tpu.dma_semaphore, #tpu.memory_space<semaphore_mem>>)
      %dma_wait3A = arith.constant 192 : i32
      %dma_wait3A_971 = tpu.memref_slice %arg4[%dma_wait3A] : memref<512xf32, #tpu.memory_space<vmem>> -> memref<64xf32, #tpu.memory_space<vmem>>
      %dma_wait3A_972 = tpu.memref_slice %arg2[%run_scoped3A_5, %mul3A_2] : memref<8x2048xf32, #tpu.memory_space<hbm>> -> memref<1x64xf32, #tpu.memory_space<hbm>>
      %dma_wait3A_973 = tpu.memref_squeeze %dma_wait3A_972 : memref<1x64xf32, #tpu.memory_space<hbm>> -> memref<64xf32, #tpu.memory_space<hbm>>
      %dma_wait3A_974 = arith.constant 192 : i32
      %dma_wait3A_975 = tpu.memref_slice %arg4[%dma_wait3A_974] : memref<512xf32, #tpu.memory_space<vmem>> -> memref<64xf32, #tpu.memory_space<vmem>>
      %dma_wait3A_976 = tpu.memref_slice %arg2[%run_scoped3A_5, %mul3A_2] : memref<8x2048xf32, #tpu.memory_space<hbm>> -> memref<1x64xf32, #tpu.memory_space<hbm>>
      %dma_wait3A_977 = tpu.memref_squeeze %dma_wait3A_976 : memref<1x64xf32, #tpu.memory_space<hbm>> -> memref<64xf32, #tpu.memory_space<hbm>>
      tpu.wait_dma2 semaphore(%run_scoped3A_963 : memref<!tpu.dma_semaphore, #tpu.memory_space<semaphore_mem>>) src(%dma_wait3A_977 : memref<64xf32, #tpu.memory_space<hbm>>) dst(%dma_wait3A_975 : memref<64xf32, #tpu.memory_space<vmem>>)
      tpu.yield
    }) : () -> ()
    %run_scoped3A_6 = arith.constant 4 : i32
    "tpu.region"() ({
      %run_scoped3A_963 = tpu.sem_alloc : memref<!tpu.dma_semaphore, #tpu.memory_space<semaphore_mem>>
      %dma_start3A = arith.constant 256 : i32
      %dma_start3A_964 = tpu.memref_slice %arg4[%dma_start3A] : memref<512xf32, #tpu.memory_space<vmem>> -> memref<64xf32, #tpu.memory_space<vmem>>
      %dma_start3A_965 = tpu.memref_slice %arg2[%run_scoped3A_6, %mul3A_2] : memref<8x2048xf32, #tpu.memory_space<hbm>> -> memref<1x64xf32, #tpu.memory_space<hbm>>
      %dma_start3A_966 = tpu.memref_squeeze %dma_start3A_965 : memref<1x64xf32, #tpu.memory_space<hbm>> -> memref<64xf32, #tpu.memory_space<hbm>>
      %dma_start3A_967 = arith.constant 256 : i32
      %dma_start3A_968 = tpu.memref_slice %arg4[%dma_start3A_967] : memref<512xf32, #tpu.memory_space<vmem>> -> memref<64xf32, #tpu.memory_space<vmem>>
      %dma_start3A_969 = tpu.memref_slice %arg2[%run_scoped3A_6, %mul3A_2] : memref<8x2048xf32, #tpu.memory_space<hbm>> -> memref<1x64xf32, #tpu.memory_space<hbm>>
      %dma_start3A_970 = tpu.memref_squeeze %dma_start3A_969 : memref<1x64xf32, #tpu.memory_space<hbm>> -> memref<64xf32, #tpu.memory_space<hbm>>
      tpu.enqueue_dma source(%dma_start3A_970 : memref<64xf32, #tpu.memory_space<hbm>>) target(%dma_start3A_968 : memref<64xf32, #tpu.memory_space<vmem>>) target_semaphore(%run_scoped3A_963 : memref<!tpu.dma_semaphore, #tpu.memory_space<semaphore_mem>>)
      %dma_wait3A = arith.constant 256 : i32
      %dma_wait3A_971 = tpu.memref_slice %arg4[%dma_wait3A] : memref<512xf32, #tpu.memory_space<vmem>> -> memref<64xf32, #tpu.memory_space<vmem>>
      %dma_wait3A_972 = tpu.memref_slice %arg2[%run_scoped3A_6, %mul3A_2] : memref<8x2048xf32, #tpu.memory_space<hbm>> -> memref<1x64xf32, #tpu.memory_space<hbm>>
      %dma_wait3A_973 = tpu.memref_squeeze %dma_wait3A_972 : memref<1x64xf32, #tpu.memory_space<hbm>> -> memref<64xf32, #tpu.memory_space<hbm>>
      %dma_wait3A_974 = arith.constant 256 : i32
      %dma_wait3A_975 = tpu.memref_slice %arg4[%dma_wait3A_974] : memref<512xf32, #tpu.memory_space<vmem>> -> memref<64xf32, #tpu.memory_space<vmem>>
      %dma_wait3A_976 = tpu.memref_slice %arg2[%run_scoped3A_6, %mul3A_2] : memref<8x2048xf32, #tpu.memory_space<hbm>> -> memref<1x64xf32, #tpu.memory_space<hbm>>
      %dma_wait3A_977 = tpu.memref_squeeze %dma_wait3A_976 : memref<1x64xf32, #tpu.memory_space<hbm>> -> memref<64xf32, #tpu.memory_space<hbm>>
      tpu.wait_dma2 semaphore(%run_scoped3A_963 : memref<!tpu.dma_semaphore, #tpu.memory_space<semaphore_mem>>) src(%dma_wait3A_977 : memref<64xf32, #tpu.memory_space<hbm>>) dst(%dma_wait3A_975 : memref<64xf32, #tpu.memory_space<vmem>>)
      tpu.yield
    }) : () -> ()
    %run_scoped3A_7 = arith.constant 5 : i32
    "tpu.region"() ({
      %run_scoped3A_963 = tpu.sem_alloc : memref<!tpu.dma_semaphore, #tpu.memory_space<semaphore_mem>>
      %dma_start3A = arith.constant 320 : i32
      %dma_start3A_964 = tpu.memref_slice %arg4[%dma_start3A] : memref<512xf32, #tpu.memory_space<vmem>> -> memref<64xf32, #tpu.memory_space<vmem>>
      %dma_start3A_965 = tpu.memref_slice %arg2[%run_scoped3A_7, %mul3A_2] : memref<8x2048xf32, #tpu.memory_space<hbm>> -> memref<1x64xf32, #tpu.memory_space<hbm>>
      %dma_start3A_966 = tpu.memref_squeeze %dma_start3A_965 : memref<1x64xf32, #tpu.memory_space<hbm>> -> memref<64xf32, #tpu.memory_space<hbm>>
      %dma_start3A_967 = arith.constant 320 : i32
      %dma_start3A_968 = tpu.memref_slice %arg4[%dma_start3A_967] : memref<512xf32, #tpu.memory_space<vmem>> -> memref<64xf32, #tpu.memory_space<vmem>>
      %dma_start3A_969 = tpu.memref_slice %arg2[%run_scoped3A_7, %mul3A_2] : memref<8x2048xf32, #tpu.memory_space<hbm>> -> memref<1x64xf32, #tpu.memory_space<hbm>>
      %dma_start3A_970 = tpu.memref_squeeze %dma_start3A_969 : memref<1x64xf32, #tpu.memory_space<hbm>> -> memref<64xf32, #tpu.memory_space<hbm>>
      tpu.enqueue_dma source(%dma_start3A_970 : memref<64xf32, #tpu.memory_space<hbm>>) target(%dma_start3A_968 : memref<64xf32, #tpu.memory_space<vmem>>) target_semaphore(%run_scoped3A_963 : memref<!tpu.dma_semaphore, #tpu.memory_space<semaphore_mem>>)
      %dma_wait3A = arith.constant 320 : i32
      %dma_wait3A_971 = tpu.memref_slice %arg4[%dma_wait3A] : memref<512xf32, #tpu.memory_space<vmem>> -> memref<64xf32, #tpu.memory_space<vmem>>
      %dma_wait3A_972 = tpu.memref_slice %arg2[%run_scoped3A_7, %mul3A_2] : memref<8x2048xf32, #tpu.memory_space<hbm>> -> memref<1x64xf32, #tpu.memory_space<hbm>>
      %dma_wait3A_973 = tpu.memref_squeeze %dma_wait3A_972 : memref<1x64xf32, #tpu.memory_space<hbm>> -> memref<64xf32, #tpu.memory_space<hbm>>
      %dma_wait3A_974 = arith.constant 320 : i32
      %dma_wait3A_975 = tpu.memref_slice %arg4[%dma_wait3A_974] : memref<512xf32, #tpu.memory_space<vmem>> -> memref<64xf32, #tpu.memory_space<vmem>>
      %dma_wait3A_976 = tpu.memref_slice %arg2[%run_scoped3A_7, %mul3A_2] : memref<8x2048xf32, #tpu.memory_space<hbm>> -> memref<1x64xf32, #tpu.memory_space<hbm>>
      %dma_wait3A_977 = tpu.memref_squeeze %dma_wait3A_976 : memref<1x64xf32, #tpu.memory_space<hbm>> -> memref<64xf32, #tpu.memory_space<hbm>>
      tpu.wait_dma2 semaphore(%run_scoped3A_963 : memref<!tpu.dma_semaphore, #tpu.memory_space<semaphore_mem>>) src(%dma_wait3A_977 : memref<64xf32, #tpu.memory_space<hbm>>) dst(%dma_wait3A_975 : memref<64xf32, #tpu.memory_space<vmem>>)
      tpu.yield
    }) : () -> ()
    %run_scoped3A_8 = arith.constant 6 : i32
    "tpu.region"() ({
      %run_scoped3A_963 = tpu.sem_alloc : memref<!tpu.dma_semaphore, #tpu.memory_space<semaphore_mem>>
      %dma_start3A = arith.constant 384 : i32
      %dma_start3A_964 = tpu.memref_slice %arg4[%dma_start3A] : memref<512xf32, #tpu.memory_space<vmem>> -> memref<64xf32, #tpu.memory_space<vmem>>
      %dma_start3A_965 = tpu.memref_slice %arg2[%run_scoped3A_8, %mul3A_2] : memref<8x2048xf32, #tpu.memory_space<hbm>> -> memref<1x64xf32, #tpu.memory_space<hbm>>
      %dma_start3A_966 = tpu.memref_squeeze %dma_start3A_965 : memref<1x64xf32, #tpu.memory_space<hbm>> -> memref<64xf32, #tpu.memory_space<hbm>>
      %dma_start3A_967 = arith.constant 384 : i32
      %dma_start3A_968 = tpu.memref_slice %arg4[%dma_start3A_967] : memref<512xf32, #tpu.memory_space<vmem>> -> memref<64xf32, #tpu.memory_space<vmem>>
      %dma_start3A_969 = tpu.memref_slice %arg2[%run_scoped3A_8, %mul3A_2] : memref<8x2048xf32, #tpu.memory_space<hbm>> -> memref<1x64xf32, #tpu.memory_space<hbm>>
      %dma_start3A_970 = tpu.memref_squeeze %dma_start3A_969 : memref<1x64xf32, #tpu.memory_space<hbm>> -> memref<64xf32, #tpu.memory_space<hbm>>
      tpu.enqueue_dma source(%dma_start3A_970 : memref<64xf32, #tpu.memory_space<hbm>>) target(%dma_start3A_968 : memref<64xf32, #tpu.memory_space<vmem>>) target_semaphore(%run_scoped3A_963 : memref<!tpu.dma_semaphore, #tpu.memory_space<semaphore_mem>>)
      %dma_wait3A = arith.constant 384 : i32
      %dma_wait3A_971 = tpu.memref_slice %arg4[%dma_wait3A] : memref<512xf32, #tpu.memory_space<vmem>> -> memref<64xf32, #tpu.memory_space<vmem>>
      %dma_wait3A_972 = tpu.memref_slice %arg2[%run_scoped3A_8, %mul3A_2] : memref<8x2048xf32, #tpu.memory_space<hbm>> -> memref<1x64xf32, #tpu.memory_space<hbm>>
      %dma_wait3A_973 = tpu.memref_squeeze %dma_wait3A_972 : memref<1x64xf32, #tpu.memory_space<hbm>> -> memref<64xf32, #tpu.memory_space<hbm>>
      %dma_wait3A_974 = arith.constant 384 : i32
      %dma_wait3A_975 = tpu.memref_slice %arg4[%dma_wait3A_974] : memref<512xf32, #tpu.memory_space<vmem>> -> memref<64xf32, #tpu.memory_space<vmem>>
      %dma_wait3A_976 = tpu.memref_slice %arg2[%run_scoped3A_8, %mul3A_2] : memref<8x2048xf32, #tpu.memory_space<hbm>> -> memref<1x64xf32, #tpu.memory_space<hbm>>
      %dma_wait3A_977 = tpu.memref_squeeze %dma_wait3A_976 : memref<1x64xf32, #tpu.memory_space<hbm>> -> memref<64xf32, #tpu.memory_space<hbm>>
      tpu.wait_dma2 semaphore(%run_scoped3A_963 : memref<!tpu.dma_semaphore, #tpu.memory_space<semaphore_mem>>) src(%dma_wait3A_977 : memref<64xf32, #tpu.memory_space<hbm>>) dst(%dma_wait3A_975 : memref<64xf32, #tpu.memory_space<vmem>>)
      tpu.yield
    }) : () -> ()
    %run_scoped3A_9 = arith.constant 7 : i32
    "tpu.region"() ({
      %run_scoped3A_963 = tpu.sem_alloc : memref<!tpu.dma_semaphore, #tpu.memory_space<semaphore_mem>>
      %dma_start3A = arith.constant 448 : i32
      %dma_start3A_964 = tpu.memref_slice %arg4[%dma_start3A] : memref<512xf32, #tpu.memory_space<vmem>> -> memref<64xf32, #tpu.memory_space<vmem>>
      %dma_start3A_965 = tpu.memref_slice %arg2[%run_scoped3A_9, %mul3A_2] : memref<8x2048xf32, #tpu.memory_space<hbm>> -> memref<1x64xf32, #tpu.memory_space<hbm>>
      %dma_start3A_966 = tpu.memref_squeeze %dma_start3A_965 : memref<1x64xf32, #tpu.memory_space<hbm>> -> memref<64xf32, #tpu.memory_space<hbm>>
      %dma_start3A_967 = arith.constant 448 : i32
      %dma_start3A_968 = tpu.memref_slice %arg4[%dma_start3A_967] : memref<512xf32, #tpu.memory_space<vmem>> -> memref<64xf32, #tpu.memory_space<vmem>>
      %dma_start3A_969 = tpu.memref_slice %arg2[%run_scoped3A_9, %mul3A_2] : memref<8x2048xf32, #tpu.memory_space<hbm>> -> memref<1x64xf32, #tpu.memory_space<hbm>>
      %dma_start3A_970 = tpu.memref_squeeze %dma_start3A_969 : memref<1x64xf32, #tpu.memory_space<hbm>> -> memref<64xf32, #tpu.memory_space<hbm>>
      tpu.enqueue_dma source(%dma_start3A_970 : memref<64xf32, #tpu.memory_space<hbm>>) target(%dma_start3A_968 : memref<64xf32, #tpu.memory_space<vmem>>) target_semaphore(%run_scoped3A_963 : memref<!tpu.dma_semaphore, #tpu.memory_space<semaphore_mem>>)
      %dma_wait3A = arith.constant 448 : i32
      %dma_wait3A_971 = tpu.memref_slice %arg4[%dma_wait3A] : memref<512xf32, #tpu.memory_space<vmem>> -> memref<64xf32, #tpu.memory_space<vmem>>
      %dma_wait3A_972 = tpu.memref_slice %arg2[%run_scoped3A_9, %mul3A_2] : memref<8x2048xf32, #tpu.memory_space<hbm>> -> memref<1x64xf32, #tpu.memory_space<hbm>>
      %dma_wait3A_973 = tpu.memref_squeeze %dma_wait3A_972 : memref<1x64xf32, #tpu.memory_space<hbm>> -> memref<64xf32, #tpu.memory_space<hbm>>
      %dma_wait3A_974 = arith.constant 448 : i32
      %dma_wait3A_975 = tpu.memref_slice %arg4[%dma_wait3A_974] : memref<512xf32, #tpu.memory_space<vmem>> -> memref<64xf32, #tpu.memory_space<vmem>>
      %dma_wait3A_976 = tpu.memref_slice %arg2[%run_scoped3A_9, %mul3A_2] : memref<8x2048xf32, #tpu.memory_space<hbm>> -> memref<1x64xf32, #tpu.memory_space<hbm>>
      %dma_wait3A_977 = tpu.memref_squeeze %dma_wait3A_976 : memref<1x64xf32, #tpu.memory_space<hbm>> -> memref<64xf32, #tpu.memory_space<hbm>>
      tpu.wait_dma2 semaphore(%run_scoped3A_963 : memref<!tpu.dma_semaphore, #tpu.memory_space<semaphore_mem>>) src(%dma_wait3A_977 : memref<64xf32, #tpu.memory_space<hbm>>) dst(%dma_wait3A_975 : memref<64xf32, #tpu.memory_space<vmem>>)
      tpu.yield
    }) : () -> ()
    %get3A = arith.constant 0 : index
    %get3A_10 = tpu.vector_load %arg4[%get3A] {strides = array<i32>} : memref<512xf32, #tpu.memory_space<vmem>>, vector<16xf32>,
    %get3A_11 = vector.shape_cast %get3A_10 : vector<16xf32> to vector<16xf32>
    %get3A_12 = arith.constant 64 : index
    %get3A_13 = tpu.vector_load %arg4[%get3A_12] {strides = array<i32>} : memref<512xf32, #tpu.memory_space<vmem>>, vector<16xf32>,
    %get3A_14 = vector.shape_cast %get3A_13 : vector<16xf32> to vector<16xf32>
    %get3A_15 = arith.constant 128 : index
    %get3A_16 = tpu.vector_load %arg4[%get3A_15] {strides = array<i32>} : memref<512xf32, #tpu.memory_space<vmem>>, vector<16xf32>,
    %get3A_17 = vector.shape_cast %get3A_16 : vector<16xf32> to vector<16xf32>
    %get3A_18 = arith.constant 192 : index
    %get3A_19 = tpu.vector_load %arg4[%get3A_18] {strides = array<i32>} : memref<512xf32, #tpu.memory_space<vmem>>, vector<16xf32>,
    %get3A_20 = vector.shape_cast %get3A_19 : vector<16xf32> to vector<16xf32>
    %get3A_21 = arith.constant 256 : index
    %get3A_22 = tpu.vector_load %arg4[%get3A_21] {strides = array<i32>} : memref<512xf32, #tpu.memory_space<vmem>>, vector<16xf32>,
    %get3A_23 = vector.shape_cast %get3A_22 : vector<16xf32> to vector<16xf32>
    %get3A_24 = arith.constant 320 : index
    %get3A_25 = tpu.vector_load %arg4[%get3A_24] {strides = array<i32>} : memref<512xf32, #tpu.memory_space<vmem>>, vector<16xf32>,
    %get3A_26 = vector.shape_cast %get3A_25 : vector<16xf32> to vector<16xf32>
    %get3A_27 = arith.constant 384 : index
    %get3A_28 = tpu.vector_load %arg4[%get3A_27] {strides = array<i32>} : memref<512xf32, #tpu.memory_space<vmem>>, vector<16xf32>,
    %get3A_29 = vector.shape_cast %get3A_28 : vector<16xf32> to vector<16xf32>
    %get3A_30 = arith.constant 448 : index
    %get3A_31 = tpu.vector_load %arg4[%get3A_30] {strides = array<i32>} : memref<512xf32, #tpu.memory_space<vmem>>, vector<16xf32>,
    %get3A_32 = vector.shape_cast %get3A_31 : vector<16xf32> to vector<16xf32>
    %max3A = arith.maximumf %get3A_11, %get3A_14 : vector<16xf32>
    %max3A_33 = arith.maximumf %max3A, %get3A_17 : vector<16xf32>
    %max3A_34 = arith.maximumf %max3A_33, %get3A_20 : vector<16xf32>
    %max3A_35 = arith.maximumf %max3A_34, %get3A_23 : vector<16xf32>
    %max3A_36 = arith.maximumf %max3A_35, %get3A_26 : vector<16xf32>
    %max3A_37 = arith.maximumf %max3A_36, %get3A_29 : vector<16xf32>
    %max3A_38 = arith.maximumf %max3A_37, %get3A_32 : vector<16xf32>
    %sub3A = arith.subf %get3A_11, %max3A_38 : vector<16xf32>
    %exp3A = math.exp %sub3A : vector<16xf32>
    %sub3A_39 = arith.subf %get3A_14, %max3A_38 : vector<16xf32>
    %exp3A_40 = math.exp %sub3A_39 : vector<16xf32>
    %sub3A_41 = arith.subf %get3A_17, %max3A_38 : vector<16xf32>
    %exp3A_42 = math.exp %sub3A_41 : vector<16xf32>
    %sub3A_43 = arith.subf %get3A_20, %max3A_38 : vector<16xf32>
    %exp3A_44 = math.exp %sub3A_43 : vector<16xf32>
    %sub3A_45 = arith.subf %get3A_23, %max3A_38 : vector<16xf32>
    %exp3A_46 = math.exp %sub3A_45 : vector<16xf32>
    %sub3A_47 = arith.subf %get3A_26, %max3A_38 : vector<16xf32>
    %exp3A_48 = math.exp %sub3A_47 : vector<16xf32>
    %sub3A_49 = arith.subf %get3A_29, %max3A_38 : vector<16xf32>
    %exp3A_50 = math.exp %sub3A_49 : vector<16xf32>
    %sub3A_51 = arith.subf %get3A_32, %max3A_38 : vector<16xf32>
    %exp3A_52 = math.exp %sub3A_51 : vector<16xf32>
    %add3A_53 = arith.addf %exp3A, %exp3A_40 : vector<16xf32>
    %add3A_54 = arith.addf %add3A_53, %exp3A_42 : vector<16xf32>
    %add3A_55 = arith.addf %add3A_54, %exp3A_44 : vector<16xf32>
    %add3A_56 = arith.addf %add3A_55, %exp3A_46 : vector<16xf32>
    %add3A_57 = arith.addf %add3A_56, %exp3A_48 : vector<16xf32>
    %add3A_58 = arith.addf %add3A_57, %exp3A_50 : vector<16xf32>
    %add3A_59 = arith.addf %add3A_58, %exp3A_52 : vector<16xf32>
    %div3A = arith.divf %exp3A, %add3A_59 : vector<16xf32>
    %div3A_60 = arith.divf %exp3A_40, %add3A_59 : vector<16xf32>
    %div3A_61 = arith.divf %exp3A_42, %add3A_59 : vector<16xf32>
    %div3A_62 = arith.divf %exp3A_44, %add3A_59 : vector<16xf32>
    %div3A_63 = arith.divf %exp3A_46, %add3A_59 : vector<16xf32>
    %div3A_64 = arith.divf %exp3A_48, %add3A_59 : vector<16xf32>
    %div3A_65 = arith.divf %exp3A_50, %add3A_59 : vector<16xf32>
    %div3A_66 = arith.divf %exp3A_52, %add3A_59 : vector<16xf32>
    %broadcast_in_dim3A = arith.constant 1.000000e+00 : f32
    %broadcast_in_dim3A_67 = vector.broadcast %broadcast_in_dim3A : f32 to vector<16xf32>
    %broadcast_in_dim3A_68 = arith.constant 0.000000e+00 : f32
    %broadcast_in_dim3A_69 = vector.broadcast %broadcast_in_dim3A_68 : f32 to vector<16xf32>
    %max3A_70 = arith.maximumf %div3A, %div3A_60 : vector<16xf32>
    %max3A_71 = arith.maximumf %max3A_70, %div3A_61 : vector<16xf32>
    %max3A_72 = arith.maximumf %max3A_71, %div3A_62 : vector<16xf32>
    %max3A_73 = arith.maximumf %max3A_72, %div3A_63 : vector<16xf32>
    %max3A_74 = arith.maximumf %max3A_73, %div3A_64 : vector<16xf32>
    %max3A_75 = arith.maximumf %max3A_74, %div3A_65 : vector<16xf32>
    %max3A_76 = arith.maximumf %max3A_75, %div3A_66 : vector<16xf32>
    %eq3A = arith.cmpf oeq, %div3A, %max3A_76 : vector<16xf32>
    %select_n3A = arith.select %eq3A, %broadcast_in_dim3A_67, %broadcast_in_dim3A_69 : vector<16xi1>, vector<16xf32>
    %sub3A_77 = arith.subf %broadcast_in_dim3A_67, %broadcast_in_dim3A_69 : vector<16xf32>
    %mul3A_78 = arith.mulf %select_n3A, %sub3A_77 : vector<16xf32>
    %add3A_79 = arith.addf %broadcast_in_dim3A_69, %mul3A_78 : vector<16xf32>
    %eq3A_80 = arith.cmpf oeq, %div3A_60, %max3A_76 : vector<16xf32>
    %select_n3A_81 = arith.select %eq3A_80, %broadcast_in_dim3A_67, %broadcast_in_dim3A_69 : vector<16xi1>, vector<16xf32>
    %sub3A_82 = arith.subf %broadcast_in_dim3A_67, %add3A_79 : vector<16xf32>
    %mul3A_83 = arith.mulf %select_n3A_81, %sub3A_82 : vector<16xf32>
    %add3A_84 = arith.addf %add3A_79, %mul3A_83 : vector<16xf32>
    %eq3A_85 = arith.cmpf oeq, %div3A_61, %max3A_76 : vector<16xf32>
    %select_n3A_86 = arith.select %eq3A_85, %broadcast_in_dim3A_67, %broadcast_in_dim3A_69 : vector<16xi1>, vector<16xf32>
    %sub3A_87 = arith.subf %broadcast_in_dim3A_67, %add3A_84 : vector<16xf32>
    %mul3A_88 = arith.mulf %select_n3A_86, %sub3A_87 : vector<16xf32>
    %add3A_89 = arith.addf %add3A_84, %mul3A_88 : vector<16xf32>
    %eq3A_90 = arith.cmpf oeq, %div3A_62, %max3A_76 : vector<16xf32>
    %select_n3A_91 = arith.select %eq3A_90, %broadcast_in_dim3A_67, %broadcast_in_dim3A_69 : vector<16xi1>, vector<16xf32>
    %sub3A_92 = arith.subf %broadcast_in_dim3A_67, %add3A_89 : vector<16xf32>
    %mul3A_93 = arith.mulf %select_n3A_91, %sub3A_92 : vector<16xf32>
    %add3A_94 = arith.addf %add3A_89, %mul3A_93 : vector<16xf32>
    %eq3A_95 = arith.cmpf oeq, %div3A_63, %max3A_76 : vector<16xf32>
    %select_n3A_96 = arith.select %eq3A_95, %broadcast_in_dim3A_67, %broadcast_in_dim3A_69 : vector<16xi1>, vector<16xf32>
    %sub3A_97 = arith.subf %broadcast_in_dim3A_67, %add3A_94 : vector<16xf32>
    %mul3A_98 = arith.mulf %select_n3A_96, %sub3A_97 : vector<16xf32>
    %add3A_99 = arith.addf %add3A_94, %mul3A_98 : vector<16xf32>
    %eq3A_100 = arith.cmpf oeq, %div3A_64, %max3A_76 : vector<16xf32>
    %select_n3A_101 = arith.select %eq3A_100, %broadcast_in_dim3A_67, %broadcast_in_dim3A_69 : vector<16xi1>, vector<16xf32>
    %sub3A_102 = arith.subf %broadcast_in_dim3A_67, %add3A_99 : vector<16xf32>
    %mul3A_103 = arith.mulf %select_n3A_101, %sub3A_102 : vector<16xf32>
    %add3A_104 = arith.addf %add3A_99, %mul3A_103 : vector<16xf32>
    %eq3A_105 = arith.cmpf oeq, %div3A_65, %max3A_76 : vector<16xf32>
    %select_n3A_106 = arith.select %eq3A_105, %broadcast_in_dim3A_67, %broadcast_in_dim3A_69 : vector<16xi1>, vector<16xf32>
    %sub3A_107 = arith.subf %broadcast_in_dim3A_67, %add3A_104 : vector<16xf32>
    %mul3A_108 = arith.mulf %select_n3A_106, %sub3A_107 : vector<16xf32>
    %add3A_109 = arith.addf %add3A_104, %mul3A_108 : vector<16xf32>
    %eq3A_110 = arith.cmpf oeq, %div3A_66, %max3A_76 : vector<16xf32>
    %select_n3A_111 = arith.select %eq3A_110, %broadcast_in_dim3A_67, %broadcast_in_dim3A_69 : vector<16xi1>, vector<16xf32>
    %sub3A_112 = arith.subf %broadcast_in_dim3A_67, %add3A_109 : vector<16xf32>
    %mul3A_113 = arith.mulf %select_n3A_111, %sub3A_112 : vector<16xf32>
    %add3A_114 = arith.addf %add3A_109, %mul3A_113 : vector<16xf32>
    %mul3A_115 = arith.constant 2.000000e+00 : f32
    %mul3A_116 = vector.broadcast %mul3A_115 : f32 to vector<16xf32>
    %mul3A_117 = arith.mulf %mul3A_116, %mul3A_78 : vector<16xf32>
    %sub3A_118 = arith.subf %div3A, %mul3A_117 : vector<16xf32>
    %mul3A_119 = arith.constant 2.000000e+00 : f32
    %mul3A_120 = vector.broadcast %mul3A_119 : f32 to vector<16xf32>
    %mul3A_121 = arith.mulf %mul3A_120, %mul3A_83 : vector<16xf32>
    %sub3A_122 = arith.subf %div3A_60, %mul3A_121 : vector<16xf32>
    %mul3A_123 = arith.constant 2.000000e+00 : f32
    %mul3A_124 = vector.broadcast %mul3A_123 : f32 to vector<16xf32>
    %mul3A_125 = arith.mulf %mul3A_124, %mul3A_88 : vector<16xf32>
    %sub3A_126 = arith.subf %div3A_61, %mul3A_125 : vector<16xf32>
    %mul3A_127 = arith.constant 2.000000e+00 : f32
    %mul3A_128 = vector.broadcast %mul3A_127 : f32 to vector<16xf32>
    %mul3A_129 = arith.mulf %mul3A_128, %mul3A_93 : vector<16xf32>
    %sub3A_130 = arith.subf %div3A_62, %mul3A_129 : vector<16xf32>
    %mul3A_131 = arith.constant 2.000000e+00 : f32
    %mul3A_132 = vector.broadcast %mul3A_131 : f32 to vector<16xf32>
    %mul3A_133 = arith.mulf %mul3A_132, %mul3A_98 : vector<16xf32>
    %sub3A_134 = arith.subf %div3A_63, %mul3A_133 : vector<16xf32>
    %mul3A_135 = arith.constant 2.000000e+00 : f32
    %mul3A_136 = vector.broadcast %mul3A_135 : f32 to vector<16xf32>
    %mul3A_137 = arith.mulf %mul3A_136, %mul3A_103 : vector<16xf32>
    %sub3A_138 = arith.subf %div3A_64, %mul3A_137 : vector<16xf32>
    %mul3A_139 = arith.constant 2.000000e+00 : f32
    %mul3A_140 = vector.broadcast %mul3A_139 : f32 to vector<16xf32>
    %mul3A_141 = arith.mulf %mul3A_140, %mul3A_108 : vector<16xf32>
    %sub3A_142 = arith.subf %div3A_65, %mul3A_141 : vector<16xf32>
    %mul3A_143 = arith.constant 2.000000e+00 : f32
    %mul3A_144 = vector.broadcast %mul3A_143 : f32 to vector<16xf32>
    %mul3A_145 = arith.mulf %mul3A_144, %mul3A_113 : vector<16xf32>
    %sub3A_146 = arith.subf %div3A_66, %mul3A_145 : vector<16xf32>
    %max3A_147 = arith.maximumf %sub3A_118, %sub3A_122 : vector<16xf32>
    %max3A_148 = arith.maximumf %max3A_147, %sub3A_126 : vector<16xf32>
    %max3A_149 = arith.maximumf %max3A_148, %sub3A_130 : vector<16xf32>
    %max3A_150 = arith.maximumf %max3A_149, %sub3A_134 : vector<16xf32>
    %max3A_151 = arith.maximumf %max3A_150, %sub3A_138 : vector<16xf32>
    %max3A_152 = arith.maximumf %max3A_151, %sub3A_142 : vector<16xf32>
    %max3A_153 = arith.maximumf %max3A_152, %sub3A_146 : vector<16xf32>
    %eq3A_154 = arith.cmpf oeq, %sub3A_118, %max3A_153 : vector<16xf32>
    %select_n3A_155 = arith.select %eq3A_154, %broadcast_in_dim3A_67, %broadcast_in_dim3A_69 : vector<16xi1>, vector<16xf32>
    %sub3A_156 = arith.subf %broadcast_in_dim3A_67, %broadcast_in_dim3A_69 : vector<16xf32>
    %mul3A_157 = arith.mulf %select_n3A_155, %sub3A_156 : vector<16xf32>
    %add3A_158 = arith.addf %broadcast_in_dim3A_69, %mul3A_157 : vector<16xf32>
    %add3A_159 = arith.addf %mul3A_78, %mul3A_157 : vector<16xf32>
    %mul3A_160 = arith.mulf %div3A, %add3A_159 : vector<16xf32>
    %swap3A = arith.constant 0 : index
    %swap3A_161 = tpu.vector_load %arg5[%swap3A] {strides = array<i32>} : memref<512xf32, #tpu.memory_space<vmem>>, vector<16xf32>,
    %swap3A_162 = vector.shape_cast %swap3A_161 : vector<16xf32> to vector<16xf32>
    %swap3A_163 = vector.shape_cast %mul3A_160 : vector<16xf32> to vector<16xf32>
    tpu.vector_store %arg5[%swap3A], %swap3A_163 {strides = array<i32>} : memref<512xf32, #tpu.memory_space<vmem>>, vector<16xf32>,
    %eq3A_164 = arith.cmpf oeq, %sub3A_122, %max3A_153 : vector<16xf32>
    %select_n3A_165 = arith.select %eq3A_164, %broadcast_in_dim3A_67, %broadcast_in_dim3A_69 : vector<16xi1>, vector<16xf32>
    %sub3A_166 = arith.subf %broadcast_in_dim3A_67, %add3A_158 : vector<16xf32>
    %mul3A_167 = arith.mulf %select_n3A_165, %sub3A_166 : vector<16xf32>
    %add3A_168 = arith.addf %add3A_158, %mul3A_167 : vector<16xf32>
    %add3A_169 = arith.addf %mul3A_83, %mul3A_167 : vector<16xf32>
    %mul3A_170 = arith.mulf %div3A_60, %add3A_169 : vector<16xf32>
    %swap3A_171 = arith.constant 64 : index
    %swap3A_172 = tpu.vector_load %arg5[%swap3A_171] {strides = array<i32>} : memref<512xf32, #tpu.memory_space<vmem>>, vector<16xf32>,
    %swap3A_173 = vector.shape_cast %swap3A_172 : vector<16xf32> to vector<16xf32>
    %swap3A_174 = vector.shape_cast %mul3A_170 : vector<16xf32> to vector<16xf32>
    tpu.vector_store %arg5[%swap3A_171], %swap3A_174 {strides = array<i32>} : memref<512xf32, #tpu.memory_space<vmem>>, vector<16xf32>,
    %eq3A_175 = arith.cmpf oeq, %sub3A_126, %max3A_153 : vector<16xf32>
    %select_n3A_176 = arith.select %eq3A_175, %broadcast_in_dim3A_67, %broadcast_in_dim3A_69 : vector<16xi1>, vector<16xf32>
    %sub3A_177 = arith.subf %broadcast_in_dim3A_67, %add3A_168 : vector<16xf32>
    %mul3A_178 = arith.mulf %select_n3A_176, %sub3A_177 : vector<16xf32>
    %add3A_179 = arith.addf %add3A_168, %mul3A_178 : vector<16xf32>
    %add3A_180 = arith.addf %mul3A_88, %mul3A_178 : vector<16xf32>
    %mul3A_181 = arith.mulf %div3A_61, %add3A_180 : vector<16xf32>
    %swap3A_182 = arith.constant 128 : index
    %swap3A_183 = tpu.vector_load %arg5[%swap3A_182] {strides = array<i32>} : memref<512xf32, #tpu.memory_space<vmem>>, vector<16xf32>,
    %swap3A_184 = vector.shape_cast %swap3A_183 : vector<16xf32> to vector<16xf32>
    %swap3A_185 = vector.shape_cast %mul3A_181 : vector<16xf32> to vector<16xf32>
    tpu.vector_store %arg5[%swap3A_182], %swap3A_185 {strides = array<i32>} : memref<512xf32, #tpu.memory_space<vmem>>, vector<16xf32>,
    %eq3A_186 = arith.cmpf oeq, %sub3A_130, %max3A_153 : vector<16xf32>
    %select_n3A_187 = arith.select %eq3A_186, %broadcast_in_dim3A_67, %broadcast_in_dim3A_69 : vector<16xi1>, vector<16xf32>
    %sub3A_188 = arith.subf %broadcast_in_dim3A_67, %add3A_179 : vector<16xf32>
    %mul3A_189 = arith.mulf %select_n3A_187, %sub3A_188 : vector<16xf32>
    %add3A_190 = arith.addf %add3A_179, %mul3A_189 : vector<16xf32>
    %add3A_191 = arith.addf %mul3A_93, %mul3A_189 : vector<16xf32>
    %mul3A_192 = arith.mulf %div3A_62, %add3A_191 : vector<16xf32>
    %swap3A_193 = arith.constant 192 : index
    %swap3A_194 = tpu.vector_load %arg5[%swap3A_193] {strides = array<i32>} : memref<512xf32, #tpu.memory_space<vmem>>, vector<16xf32>,
    %swap3A_195 = vector.shape_cast %swap3A_194 : vector<16xf32> to vector<16xf32>
    %swap3A_196 = vector.shape_cast %mul3A_192 : vector<16xf32> to vector<16xf32>
    tpu.vector_store %arg5[%swap3A_193], %swap3A_196 {strides = array<i32>} : memref<512xf32, #tpu.memory_space<vmem>>, vector<16xf32>,
    %eq3A_197 = arith.cmpf oeq, %sub3A_134, %max3A_153 : vector<16xf32>
    %select_n3A_198 = arith.select %eq3A_197, %broadcast_in_dim3A_67, %broadcast_in_dim3A_69 : vector<16xi1>, vector<16xf32>
    %sub3A_199 = arith.subf %broadcast_in_dim3A_67, %add3A_190 : vector<16xf32>
    %mul3A_200 = arith.mulf %select_n3A_198, %sub3A_199 : vector<16xf32>
    %add3A_201 = arith.addf %add3A_190, %mul3A_200 : vector<16xf32>
    %add3A_202 = arith.addf %mul3A_98, %mul3A_200 : vector<16xf32>
    %mul3A_203 = arith.mulf %div3A_63, %add3A_202 : vector<16xf32>
    %swap3A_204 = arith.constant 256 : index
    %swap3A_205 = tpu.vector_load %arg5[%swap3A_204] {strides = array<i32>} : memref<512xf32, #tpu.memory_space<vmem>>, vector<16xf32>,
    %swap3A_206 = vector.shape_cast %swap3A_205 : vector<16xf32> to vector<16xf32>
    %swap3A_207 = vector.shape_cast %mul3A_203 : vector<16xf32> to vector<16xf32>
    tpu.vector_store %arg5[%swap3A_204], %swap3A_207 {strides = array<i32>} : memref<512xf32, #tpu.memory_space<vmem>>, vector<16xf32>,
    %eq3A_208 = arith.cmpf oeq, %sub3A_138, %max3A_153 : vector<16xf32>
    %select_n3A_209 = arith.select %eq3A_208, %broadcast_in_dim3A_67, %broadcast_in_dim3A_69 : vector<16xi1>, vector<16xf32>
    %sub3A_210 = arith.subf %broadcast_in_dim3A_67, %add3A_201 : vector<16xf32>
    %mul3A_211 = arith.mulf %select_n3A_209, %sub3A_210 : vector<16xf32>
    %add3A_212 = arith.addf %add3A_201, %mul3A_211 : vector<16xf32>
    %add3A_213 = arith.addf %mul3A_103, %mul3A_211 : vector<16xf32>
    %mul3A_214 = arith.mulf %div3A_64, %add3A_213 : vector<16xf32>
    %swap3A_215 = arith.constant 320 : index
    %swap3A_216 = tpu.vector_load %arg5[%swap3A_215] {strides = array<i32>} : memref<512xf32, #tpu.memory_space<vmem>>, vector<16xf32>,
    %swap3A_217 = vector.shape_cast %swap3A_216 : vector<16xf32> to vector<16xf32>
    %swap3A_218 = vector.shape_cast %mul3A_214 : vector<16xf32> to vector<16xf32>
    tpu.vector_store %arg5[%swap3A_215], %swap3A_218 {strides = array<i32>} : memref<512xf32, #tpu.memory_space<vmem>>, vector<16xf32>,
    %eq3A_219 = arith.cmpf oeq, %sub3A_142, %max3A_153 : vector<16xf32>
    %select_n3A_220 = arith.select %eq3A_219, %broadcast_in_dim3A_67, %broadcast_in_dim3A_69 : vector<16xi1>, vector<16xf32>
    %sub3A_221 = arith.subf %broadcast_in_dim3A_67, %add3A_212 : vector<16xf32>
    %mul3A_222 = arith.mulf %select_n3A_220, %sub3A_221 : vector<16xf32>
    %add3A_223 = arith.addf %add3A_212, %mul3A_222 : vector<16xf32>
    %add3A_224 = arith.addf %mul3A_108, %mul3A_222 : vector<16xf32>
    %mul3A_225 = arith.mulf %div3A_65, %add3A_224 : vector<16xf32>
    %swap3A_226 = arith.constant 384 : index
    %swap3A_227 = tpu.vector_load %arg5[%swap3A_226] {strides = array<i32>} : memref<512xf32, #tpu.memory_space<vmem>>, vector<16xf32>,
    %swap3A_228 = vector.shape_cast %swap3A_227 : vector<16xf32> to vector<16xf32>
    %swap3A_229 = vector.shape_cast %mul3A_225 : vector<16xf32> to vector<16xf32>
    tpu.vector_store %arg5[%swap3A_226], %swap3A_229 {strides = array<i32>} : memref<512xf32, #tpu.memory_space<vmem>>, vector<16xf32>,
    %eq3A_230 = arith.cmpf oeq, %sub3A_146, %max3A_153 : vector<16xf32>
    %select_n3A_231 = arith.select %eq3A_230, %broadcast_in_dim3A_67, %broadcast_in_dim3A_69 : vector<16xi1>, vector<16xf32>
    %sub3A_232 = arith.subf %broadcast_in_dim3A_67, %add3A_223 : vector<16xf32>
    %mul3A_233 = arith.mulf %select_n3A_231, %sub3A_232 : vector<16xf32>
    %add3A_234 = arith.addf %add3A_223, %mul3A_233 : vector<16xf32>
    %add3A_235 = arith.addf %mul3A_113, %mul3A_233 : vector<16xf32>
    %mul3A_236 = arith.mulf %div3A_66, %add3A_235 : vector<16xf32>
    %swap3A_237 = arith.constant 448 : index
    %swap3A_238 = tpu.vector_load %arg5[%swap3A_237] {strides = array<i32>} : memref<512xf32, #tpu.memory_space<vmem>>, vector<16xf32>,
    %swap3A_239 = vector.shape_cast %swap3A_238 : vector<16xf32> to vector<16xf32>
    %swap3A_240 = vector.shape_cast %mul3A_236 : vector<16xf32> to vector<16xf32>
    tpu.vector_store %arg5[%swap3A_237], %swap3A_240 {strides = array<i32>} : memref<512xf32, #tpu.memory_space<vmem>>, vector<16xf32>,
    %get3A_241 = arith.constant 16 : index
    %get3A_242 = tpu.vector_load %arg4[%get3A_241] {strides = array<i32>} : memref<512xf32, #tpu.memory_space<vmem>>, vector<16xf32>,
    %get3A_243 = vector.shape_cast %get3A_242 : vector<16xf32> to vector<16xf32>
    %get3A_244 = arith.constant 80 : index
    %get3A_245 = tpu.vector_load %arg4[%get3A_244] {strides = array<i32>} : memref<512xf32, #tpu.memory_space<vmem>>, vector<16xf32>,
    %get3A_246 = vector.shape_cast %get3A_245 : vector<16xf32> to vector<16xf32>
    %get3A_247 = arith.constant 144 : index
    %get3A_248 = tpu.vector_load %arg4[%get3A_247] {strides = array<i32>} : memref<512xf32, #tpu.memory_space<vmem>>, vector<16xf32>,
    %get3A_249 = vector.shape_cast %get3A_248 : vector<16xf32> to vector<16xf32>
    %get3A_250 = arith.constant 208 : index
    %get3A_251 = tpu.vector_load %arg4[%get3A_250] {strides = array<i32>} : memref<512xf32, #tpu.memory_space<vmem>>, vector<16xf32>,
    %get3A_252 = vector.shape_cast %get3A_251 : vector<16xf32> to vector<16xf32>
    %get3A_253 = arith.constant 272 : index
    %get3A_254 = tpu.vector_load %arg4[%get3A_253] {strides = array<i32>} : memref<512xf32, #tpu.memory_space<vmem>>, vector<16xf32>,
    %get3A_255 = vector.shape_cast %get3A_254 : vector<16xf32> to vector<16xf32>
    %get3A_256 = arith.constant 336 : index
    %get3A_257 = tpu.vector_load %arg4[%get3A_256] {strides = array<i32>} : memref<512xf32, #tpu.memory_space<vmem>>, vector<16xf32>,
    %get3A_258 = vector.shape_cast %get3A_257 : vector<16xf32> to vector<16xf32>
    %get3A_259 = arith.constant 400 : index
    %get3A_260 = tpu.vector_load %arg4[%get3A_259] {strides = array<i32>} : memref<512xf32, #tpu.memory_space<vmem>>, vector<16xf32>,
    %get3A_261 = vector.shape_cast %get3A_260 : vector<16xf32> to vector<16xf32>
    %get3A_262 = arith.constant 464 : index
    %get3A_263 = tpu.vector_load %arg4[%get3A_262] {strides = array<i32>} : memref<512xf32, #tpu.memory_space<vmem>>, vector<16xf32>,
    %get3A_264 = vector.shape_cast %get3A_263 : vector<16xf32> to vector<16xf32>
    %max3A_265 = arith.maximumf %get3A_243, %get3A_246 : vector<16xf32>
    %max3A_266 = arith.maximumf %max3A_265, %get3A_249 : vector<16xf32>
    %max3A_267 = arith.maximumf %max3A_266, %get3A_252 : vector<16xf32>
    %max3A_268 = arith.maximumf %max3A_267, %get3A_255 : vector<16xf32>
    %max3A_269 = arith.maximumf %max3A_268, %get3A_258 : vector<16xf32>
    %max3A_270 = arith.maximumf %max3A_269, %get3A_261 : vector<16xf32>
    %max3A_271 = arith.maximumf %max3A_270, %get3A_264 : vector<16xf32>
    %sub3A_272 = arith.subf %get3A_243, %max3A_271 : vector<16xf32>
    %exp3A_273 = math.exp %sub3A_272 : vector<16xf32>
    %sub3A_274 = arith.subf %get3A_246, %max3A_271 : vector<16xf32>
    %exp3A_275 = math.exp %sub3A_274 : vector<16xf32>
    %sub3A_276 = arith.subf %get3A_249, %max3A_271 : vector<16xf32>
    %exp3A_277 = math.exp %sub3A_276 : vector<16xf32>
    %sub3A_278 = arith.subf %get3A_252, %max3A_271 : vector<16xf32>
    %exp3A_279 = math.exp %sub3A_278 : vector<16xf32>
    %sub3A_280 = arith.subf %get3A_255, %max3A_271 : vector<16xf32>
    %exp3A_281 = math.exp %sub3A_280 : vector<16xf32>
    %sub3A_282 = arith.subf %get3A_258, %max3A_271 : vector<16xf32>
    %exp3A_283 = math.exp %sub3A_282 : vector<16xf32>
    %sub3A_284 = arith.subf %get3A_261, %max3A_271 : vector<16xf32>
    %exp3A_285 = math.exp %sub3A_284 : vector<16xf32>
    %sub3A_286 = arith.subf %get3A_264, %max3A_271 : vector<16xf32>
    %exp3A_287 = math.exp %sub3A_286 : vector<16xf32>
    %add3A_288 = arith.addf %exp3A_273, %exp3A_275 : vector<16xf32>
    %add3A_289 = arith.addf %add3A_288, %exp3A_277 : vector<16xf32>
    %add3A_290 = arith.addf %add3A_289, %exp3A_279 : vector<16xf32>
    %add3A_291 = arith.addf %add3A_290, %exp3A_281 : vector<16xf32>
    %add3A_292 = arith.addf %add3A_291, %exp3A_283 : vector<16xf32>
    %add3A_293 = arith.addf %add3A_292, %exp3A_285 : vector<16xf32>
    %add3A_294 = arith.addf %add3A_293, %exp3A_287 : vector<16xf32>
    %div3A_295 = arith.divf %exp3A_273, %add3A_294 : vector<16xf32>
    %div3A_296 = arith.divf %exp3A_275, %add3A_294 : vector<16xf32>
    %div3A_297 = arith.divf %exp3A_277, %add3A_294 : vector<16xf32>
    %div3A_298 = arith.divf %exp3A_279, %add3A_294 : vector<16xf32>
    %div3A_299 = arith.divf %exp3A_281, %add3A_294 : vector<16xf32>
    %div3A_300 = arith.divf %exp3A_283, %add3A_294 : vector<16xf32>
    %div3A_301 = arith.divf %exp3A_285, %add3A_294 : vector<16xf32>
    %div3A_302 = arith.divf %exp3A_287, %add3A_294 : vector<16xf32>
    %broadcast_in_dim3A_303 = arith.constant 1.000000e+00 : f32
    %broadcast_in_dim3A_304 = vector.broadcast %broadcast_in_dim3A_303 : f32 to vector<16xf32>
    %broadcast_in_dim3A_305 = arith.constant 0.000000e+00 : f32
    %broadcast_in_dim3A_306 = vector.broadcast %broadcast_in_dim3A_305 : f32 to vector<16xf32>
    %max3A_307 = arith.maximumf %div3A_295, %div3A_296 : vector<16xf32>
    %max3A_308 = arith.maximumf %max3A_307, %div3A_297 : vector<16xf32>
    %max3A_309 = arith.maximumf %max3A_308, %div3A_298 : vector<16xf32>
    %max3A_310 = arith.maximumf %max3A_309, %div3A_299 : vector<16xf32>
    %max3A_311 = arith.maximumf %max3A_310, %div3A_300 : vector<16xf32>
    %max3A_312 = arith.maximumf %max3A_311, %div3A_301 : vector<16xf32>
    %max3A_313 = arith.maximumf %max3A_312, %div3A_302 : vector<16xf32>
    %eq3A_314 = arith.cmpf oeq, %div3A_295, %max3A_313 : vector<16xf32>
    %select_n3A_315 = arith.select %eq3A_314, %broadcast_in_dim3A_304, %broadcast_in_dim3A_306 : vector<16xi1>, vector<16xf32>
    %sub3A_316 = arith.subf %broadcast_in_dim3A_304, %broadcast_in_dim3A_306 : vector<16xf32>
    %mul3A_317 = arith.mulf %select_n3A_315, %sub3A_316 : vector<16xf32>
    %add3A_318 = arith.addf %broadcast_in_dim3A_306, %mul3A_317 : vector<16xf32>
    %eq3A_319 = arith.cmpf oeq, %div3A_296, %max3A_313 : vector<16xf32>
    %select_n3A_320 = arith.select %eq3A_319, %broadcast_in_dim3A_304, %broadcast_in_dim3A_306 : vector<16xi1>, vector<16xf32>
    %sub3A_321 = arith.subf %broadcast_in_dim3A_304, %add3A_318 : vector<16xf32>
    %mul3A_322 = arith.mulf %select_n3A_320, %sub3A_321 : vector<16xf32>
    %add3A_323 = arith.addf %add3A_318, %mul3A_322 : vector<16xf32>
    %eq3A_324 = arith.cmpf oeq, %div3A_297, %max3A_313 : vector<16xf32>
    %select_n3A_325 = arith.select %eq3A_324, %broadcast_in_dim3A_304, %broadcast_in_dim3A_306 : vector<16xi1>, vector<16xf32>
    %sub3A_326 = arith.subf %broadcast_in_dim3A_304, %add3A_323 : vector<16xf32>
    %mul3A_327 = arith.mulf %select_n3A_325, %sub3A_326 : vector<16xf32>
    %add3A_328 = arith.addf %add3A_323, %mul3A_327 : vector<16xf32>
    %eq3A_329 = arith.cmpf oeq, %div3A_298, %max3A_313 : vector<16xf32>
    %select_n3A_330 = arith.select %eq3A_329, %broadcast_in_dim3A_304, %broadcast_in_dim3A_306 : vector<16xi1>, vector<16xf32>
    %sub3A_331 = arith.subf %broadcast_in_dim3A_304, %add3A_328 : vector<16xf32>
    %mul3A_332 = arith.mulf %select_n3A_330, %sub3A_331 : vector<16xf32>
    %add3A_333 = arith.addf %add3A_328, %mul3A_332 : vector<16xf32>
    %eq3A_334 = arith.cmpf oeq, %div3A_299, %max3A_313 : vector<16xf32>
    %select_n3A_335 = arith.select %eq3A_334, %broadcast_in_dim3A_304, %broadcast_in_dim3A_306 : vector<16xi1>, vector<16xf32>
    %sub3A_336 = arith.subf %broadcast_in_dim3A_304, %add3A_333 : vector<16xf32>
    %mul3A_337 = arith.mulf %select_n3A_335, %sub3A_336 : vector<16xf32>
    %add3A_338 = arith.addf %add3A_333, %mul3A_337 : vector<16xf32>
    %eq3A_339 = arith.cmpf oeq, %div3A_300, %max3A_313 : vector<16xf32>
    %select_n3A_340 = arith.select %eq3A_339, %broadcast_in_dim3A_304, %broadcast_in_dim3A_306 : vector<16xi1>, vector<16xf32>
    %sub3A_341 = arith.subf %broadcast_in_dim3A_304, %add3A_338 : vector<16xf32>
    %mul3A_342 = arith.mulf %select_n3A_340, %sub3A_341 : vector<16xf32>
    %add3A_343 = arith.addf %add3A_338, %mul3A_342 : vector<16xf32>
    %eq3A_344 = arith.cmpf oeq, %div3A_301, %max3A_313 : vector<16xf32>
    %select_n3A_345 = arith.select %eq3A_344, %broadcast_in_dim3A_304, %broadcast_in_dim3A_306 : vector<16xi1>, vector<16xf32>
    %sub3A_346 = arith.subf %broadcast_in_dim3A_304, %add3A_343 : vector<16xf32>
    %mul3A_347 = arith.mulf %select_n3A_345, %sub3A_346 : vector<16xf32>
    %add3A_348 = arith.addf %add3A_343, %mul3A_347 : vector<16xf32>
    %eq3A_349 = arith.cmpf oeq, %div3A_302, %max3A_313 : vector<16xf32>
    %select_n3A_350 = arith.select %eq3A_349, %broadcast_in_dim3A_304, %broadcast_in_dim3A_306 : vector<16xi1>, vector<16xf32>
    %sub3A_351 = arith.subf %broadcast_in_dim3A_304, %add3A_348 : vector<16xf32>
    %mul3A_352 = arith.mulf %select_n3A_350, %sub3A_351 : vector<16xf32>
    %add3A_353 = arith.addf %add3A_348, %mul3A_352 : vector<16xf32>
    %mul3A_354 = arith.constant 2.000000e+00 : f32
    %mul3A_355 = vector.broadcast %mul3A_354 : f32 to vector<16xf32>
    %mul3A_356 = arith.mulf %mul3A_355, %mul3A_317 : vector<16xf32>
    %sub3A_357 = arith.subf %div3A_295, %mul3A_356 : vector<16xf32>
    %mul3A_358 = arith.constant 2.000000e+00 : f32
    %mul3A_359 = vector.broadcast %mul3A_358 : f32 to vector<16xf32>
    %mul3A_360 = arith.mulf %mul3A_359, %mul3A_322 : vector<16xf32>
    %sub3A_361 = arith.subf %div3A_296, %mul3A_360 : vector<16xf32>
    %mul3A_362 = arith.constant 2.000000e+00 : f32
    %mul3A_363 = vector.broadcast %mul3A_362 : f32 to vector<16xf32>
    %mul3A_364 = arith.mulf %mul3A_363, %mul3A_327 : vector<16xf32>
    %sub3A_365 = arith.subf %div3A_297, %mul3A_364 : vector<16xf32>
    %mul3A_366 = arith.constant 2.000000e+00 : f32
    %mul3A_367 = vector.broadcast %mul3A_366 : f32 to vector<16xf32>
    %mul3A_368 = arith.mulf %mul3A_367, %mul3A_332 : vector<16xf32>
    %sub3A_369 = arith.subf %div3A_298, %mul3A_368 : vector<16xf32>
    %mul3A_370 = arith.constant 2.000000e+00 : f32
    %mul3A_371 = vector.broadcast %mul3A_370 : f32 to vector<16xf32>
    %mul3A_372 = arith.mulf %mul3A_371, %mul3A_337 : vector<16xf32>
    %sub3A_373 = arith.subf %div3A_299, %mul3A_372 : vector<16xf32>
    %mul3A_374 = arith.constant 2.000000e+00 : f32
    %mul3A_375 = vector.broadcast %mul3A_374 : f32 to vector<16xf32>
    %mul3A_376 = arith.mulf %mul3A_375, %mul3A_342 : vector<16xf32>
    %sub3A_377 = arith.subf %div3A_300, %mul3A_376 : vector<16xf32>
    %mul3A_378 = arith.constant 2.000000e+00 : f32
    %mul3A_379 = vector.broadcast %mul3A_378 : f32 to vector<16xf32>
    %mul3A_380 = arith.mulf %mul3A_379, %mul3A_347 : vector<16xf32>
    %sub3A_381 = arith.subf %div3A_301, %mul3A_380 : vector<16xf32>
    %mul3A_382 = arith.constant 2.000000e+00 : f32
    %mul3A_383 = vector.broadcast %mul3A_382 : f32 to vector<16xf32>
    %mul3A_384 = arith.mulf %mul3A_383, %mul3A_352 : vector<16xf32>
    %sub3A_385 = arith.subf %div3A_302, %mul3A_384 : vector<16xf32>
    %max3A_386 = arith.maximumf %sub3A_357, %sub3A_361 : vector<16xf32>
    %max3A_387 = arith.maximumf %max3A_386, %sub3A_365 : vector<16xf32>
    %max3A_388 = arith.maximumf %max3A_387, %sub3A_369 : vector<16xf32>
    %max3A_389 = arith.maximumf %max3A_388, %sub3A_373 : vector<16xf32>
    %max3A_390 = arith.maximumf %max3A_389, %sub3A_377 : vector<16xf32>
    %max3A_391 = arith.maximumf %max3A_390, %sub3A_381 : vector<16xf32>
    %max3A_392 = arith.maximumf %max3A_391, %sub3A_385 : vector<16xf32>
    %eq3A_393 = arith.cmpf oeq, %sub3A_357, %max3A_392 : vector<16xf32>
    %select_n3A_394 = arith.select %eq3A_393, %broadcast_in_dim3A_304, %broadcast_in_dim3A_306 : vector<16xi1>, vector<16xf32>
    %sub3A_395 = arith.subf %broadcast_in_dim3A_304, %broadcast_in_dim3A_306 : vector<16xf32>
    %mul3A_396 = arith.mulf %select_n3A_394, %sub3A_395 : vector<16xf32>
    %add3A_397 = arith.addf %broadcast_in_dim3A_306, %mul3A_396 : vector<16xf32>
    %add3A_398 = arith.addf %mul3A_317, %mul3A_396 : vector<16xf32>
    %mul3A_399 = arith.mulf %div3A_295, %add3A_398 : vector<16xf32>
    %swap3A_400 = arith.constant 16 : index
    %swap3A_401 = tpu.vector_load %arg5[%swap3A_400] {strides = array<i32>} : memref<512xf32, #tpu.memory_space<vmem>>, vector<16xf32>,
    %swap3A_402 = vector.shape_cast %swap3A_401 : vector<16xf32> to vector<16xf32>
    %swap3A_403 = vector.shape_cast %mul3A_399 : vector<16xf32> to vector<16xf32>
    tpu.vector_store %arg5[%swap3A_400], %swap3A_403 {strides = array<i32>} : memref<512xf32, #tpu.memory_space<vmem>>, vector<16xf32>,
    %eq3A_404 = arith.cmpf oeq, %sub3A_361, %max3A_392 : vector<16xf32>
    %select_n3A_405 = arith.select %eq3A_404, %broadcast_in_dim3A_304, %broadcast_in_dim3A_306 : vector<16xi1>, vector<16xf32>
    %sub3A_406 = arith.subf %broadcast_in_dim3A_304, %add3A_397 : vector<16xf32>
    %mul3A_407 = arith.mulf %select_n3A_405, %sub3A_406 : vector<16xf32>
    %add3A_408 = arith.addf %add3A_397, %mul3A_407 : vector<16xf32>
    %add3A_409 = arith.addf %mul3A_322, %mul3A_407 : vector<16xf32>
    %mul3A_410 = arith.mulf %div3A_296, %add3A_409 : vector<16xf32>
    %swap3A_411 = arith.constant 80 : index
    %swap3A_412 = tpu.vector_load %arg5[%swap3A_411] {strides = array<i32>} : memref<512xf32, #tpu.memory_space<vmem>>, vector<16xf32>,
    %swap3A_413 = vector.shape_cast %swap3A_412 : vector<16xf32> to vector<16xf32>
    %swap3A_414 = vector.shape_cast %mul3A_410 : vector<16xf32> to vector<16xf32>
    tpu.vector_store %arg5[%swap3A_411], %swap3A_414 {strides = array<i32>} : memref<512xf32, #tpu.memory_space<vmem>>, vector<16xf32>,
    %eq3A_415 = arith.cmpf oeq, %sub3A_365, %max3A_392 : vector<16xf32>
    %select_n3A_416 = arith.select %eq3A_415, %broadcast_in_dim3A_304, %broadcast_in_dim3A_306 : vector<16xi1>, vector<16xf32>
    %sub3A_417 = arith.subf %broadcast_in_dim3A_304, %add3A_408 : vector<16xf32>
    %mul3A_418 = arith.mulf %select_n3A_416, %sub3A_417 : vector<16xf32>
    %add3A_419 = arith.addf %add3A_408, %mul3A_418 : vector<16xf32>
    %add3A_420 = arith.addf %mul3A_327, %mul3A_418 : vector<16xf32>
    %mul3A_421 = arith.mulf %div3A_297, %add3A_420 : vector<16xf32>
    %swap3A_422 = arith.constant 144 : index
    %swap3A_423 = tpu.vector_load %arg5[%swap3A_422] {strides = array<i32>} : memref<512xf32, #tpu.memory_space<vmem>>, vector<16xf32>,
    %swap3A_424 = vector.shape_cast %swap3A_423 : vector<16xf32> to vector<16xf32>
    %swap3A_425 = vector.shape_cast %mul3A_421 : vector<16xf32> to vector<16xf32>
    tpu.vector_store %arg5[%swap3A_422], %swap3A_425 {strides = array<i32>} : memref<512xf32, #tpu.memory_space<vmem>>, vector<16xf32>,
    %eq3A_426 = arith.cmpf oeq, %sub3A_369, %max3A_392 : vector<16xf32>
    %select_n3A_427 = arith.select %eq3A_426, %broadcast_in_dim3A_304, %broadcast_in_dim3A_306 : vector<16xi1>, vector<16xf32>
    %sub3A_428 = arith.subf %broadcast_in_dim3A_304, %add3A_419 : vector<16xf32>
    %mul3A_429 = arith.mulf %select_n3A_427, %sub3A_428 : vector<16xf32>
    %add3A_430 = arith.addf %add3A_419, %mul3A_429 : vector<16xf32>
    %add3A_431 = arith.addf %mul3A_332, %mul3A_429 : vector<16xf32>
    %mul3A_432 = arith.mulf %div3A_298, %add3A_431 : vector<16xf32>
    %swap3A_433 = arith.constant 208 : index
    %swap3A_434 = tpu.vector_load %arg5[%swap3A_433] {strides = array<i32>} : memref<512xf32, #tpu.memory_space<vmem>>, vector<16xf32>,
    %swap3A_435 = vector.shape_cast %swap3A_434 : vector<16xf32> to vector<16xf32>
    %swap3A_436 = vector.shape_cast %mul3A_432 : vector<16xf32> to vector<16xf32>
    tpu.vector_store %arg5[%swap3A_433], %swap3A_436 {strides = array<i32>} : memref<512xf32, #tpu.memory_space<vmem>>, vector<16xf32>,
    %eq3A_437 = arith.cmpf oeq, %sub3A_373, %max3A_392 : vector<16xf32>
    %select_n3A_438 = arith.select %eq3A_437, %broadcast_in_dim3A_304, %broadcast_in_dim3A_306 : vector<16xi1>, vector<16xf32>
    %sub3A_439 = arith.subf %broadcast_in_dim3A_304, %add3A_430 : vector<16xf32>
    %mul3A_440 = arith.mulf %select_n3A_438, %sub3A_439 : vector<16xf32>
    %add3A_441 = arith.addf %add3A_430, %mul3A_440 : vector<16xf32>
    %add3A_442 = arith.addf %mul3A_337, %mul3A_440 : vector<16xf32>
    %mul3A_443 = arith.mulf %div3A_299, %add3A_442 : vector<16xf32>
    %swap3A_444 = arith.constant 272 : index
    %swap3A_445 = tpu.vector_load %arg5[%swap3A_444] {strides = array<i32>} : memref<512xf32, #tpu.memory_space<vmem>>, vector<16xf32>,
    %swap3A_446 = vector.shape_cast %swap3A_445 : vector<16xf32> to vector<16xf32>
    %swap3A_447 = vector.shape_cast %mul3A_443 : vector<16xf32> to vector<16xf32>
    tpu.vector_store %arg5[%swap3A_444], %swap3A_447 {strides = array<i32>} : memref<512xf32, #tpu.memory_space<vmem>>, vector<16xf32>,
    %eq3A_448 = arith.cmpf oeq, %sub3A_377, %max3A_392 : vector<16xf32>
    %select_n3A_449 = arith.select %eq3A_448, %broadcast_in_dim3A_304, %broadcast_in_dim3A_306 : vector<16xi1>, vector<16xf32>
    %sub3A_450 = arith.subf %broadcast_in_dim3A_304, %add3A_441 : vector<16xf32>
    %mul3A_451 = arith.mulf %select_n3A_449, %sub3A_450 : vector<16xf32>
    %add3A_452 = arith.addf %add3A_441, %mul3A_451 : vector<16xf32>
    %add3A_453 = arith.addf %mul3A_342, %mul3A_451 : vector<16xf32>
    %mul3A_454 = arith.mulf %div3A_300, %add3A_453 : vector<16xf32>
    %swap3A_455 = arith.constant 336 : index
    %swap3A_456 = tpu.vector_load %arg5[%swap3A_455] {strides = array<i32>} : memref<512xf32, #tpu.memory_space<vmem>>, vector<16xf32>,
    %swap3A_457 = vector.shape_cast %swap3A_456 : vector<16xf32> to vector<16xf32>
    %swap3A_458 = vector.shape_cast %mul3A_454 : vector<16xf32> to vector<16xf32>
    tpu.vector_store %arg5[%swap3A_455], %swap3A_458 {strides = array<i32>} : memref<512xf32, #tpu.memory_space<vmem>>, vector<16xf32>,
    %eq3A_459 = arith.cmpf oeq, %sub3A_381, %max3A_392 : vector<16xf32>
    %select_n3A_460 = arith.select %eq3A_459, %broadcast_in_dim3A_304, %broadcast_in_dim3A_306 : vector<16xi1>, vector<16xf32>
    %sub3A_461 = arith.subf %broadcast_in_dim3A_304, %add3A_452 : vector<16xf32>
    %mul3A_462 = arith.mulf %select_n3A_460, %sub3A_461 : vector<16xf32>
    %add3A_463 = arith.addf %add3A_452, %mul3A_462 : vector<16xf32>
    %add3A_464 = arith.addf %mul3A_347, %mul3A_462 : vector<16xf32>
    %mul3A_465 = arith.mulf %div3A_301, %add3A_464 : vector<16xf32>
    %swap3A_466 = arith.constant 400 : index
    %swap3A_467 = tpu.vector_load %arg5[%swap3A_466] {strides = array<i32>} : memref<512xf32, #tpu.memory_space<vmem>>, vector<16xf32>,
    %swap3A_468 = vector.shape_cast %swap3A_467 : vector<16xf32> to vector<16xf32>
    %swap3A_469 = vector.shape_cast %mul3A_465 : vector<16xf32> to vector<16xf32>
    tpu.vector_store %arg5[%swap3A_466], %swap3A_469 {strides = array<i32>} : memref<512xf32, #tpu.memory_space<vmem>>, vector<16xf32>,
    %eq3A_470 = arith.cmpf oeq, %sub3A_385, %max3A_392 : vector<16xf32>
    %select_n3A_471 = arith.select %eq3A_470, %broadcast_in_dim3A_304, %broadcast_in_dim3A_306 : vector<16xi1>, vector<16xf32>
    %sub3A_472 = arith.subf %broadcast_in_dim3A_304, %add3A_463 : vector<16xf32>
    %mul3A_473 = arith.mulf %select_n3A_471, %sub3A_472 : vector<16xf32>
    %add3A_474 = arith.addf %add3A_463, %mul3A_473 : vector<16xf32>
    %add3A_475 = arith.addf %mul3A_352, %mul3A_473 : vector<16xf32>
    %mul3A_476 = arith.mulf %div3A_302, %add3A_475 : vector<16xf32>
    %swap3A_477 = arith.constant 464 : index
    %swap3A_478 = tpu.vector_load %arg5[%swap3A_477] {strides = array<i32>} : memref<512xf32, #tpu.memory_space<vmem>>, vector<16xf32>,
    %swap3A_479 = vector.shape_cast %swap3A_478 : vector<16xf32> to vector<16xf32>
    %swap3A_480 = vector.shape_cast %mul3A_476 : vector<16xf32> to vector<16xf32>
    tpu.vector_store %arg5[%swap3A_477], %swap3A_480 {strides = array<i32>} : memref<512xf32, #tpu.memory_space<vmem>>, vector<16xf32>,
    %get3A_481 = arith.constant 32 : index
    %get3A_482 = tpu.vector_load %arg4[%get3A_481] {strides = array<i32>} : memref<512xf32, #tpu.memory_space<vmem>>, vector<16xf32>,
    %get3A_483 = vector.shape_cast %get3A_482 : vector<16xf32> to vector<16xf32>
    %get3A_484 = arith.constant 96 : index
    %get3A_485 = tpu.vector_load %arg4[%get3A_484] {strides = array<i32>} : memref<512xf32, #tpu.memory_space<vmem>>, vector<16xf32>,
    %get3A_486 = vector.shape_cast %get3A_485 : vector<16xf32> to vector<16xf32>
    %get3A_487 = arith.constant 160 : index
    %get3A_488 = tpu.vector_load %arg4[%get3A_487] {strides = array<i32>} : memref<512xf32, #tpu.memory_space<vmem>>, vector<16xf32>,
    %get3A_489 = vector.shape_cast %get3A_488 : vector<16xf32> to vector<16xf32>
    %get3A_490 = arith.constant 224 : index
    %get3A_491 = tpu.vector_load %arg4[%get3A_490] {strides = array<i32>} : memref<512xf32, #tpu.memory_space<vmem>>, vector<16xf32>,
    %get3A_492 = vector.shape_cast %get3A_491 : vector<16xf32> to vector<16xf32>
    %get3A_493 = arith.constant 288 : index
    %get3A_494 = tpu.vector_load %arg4[%get3A_493] {strides = array<i32>} : memref<512xf32, #tpu.memory_space<vmem>>, vector<16xf32>,
    %get3A_495 = vector.shape_cast %get3A_494 : vector<16xf32> to vector<16xf32>
    %get3A_496 = arith.constant 352 : index
    %get3A_497 = tpu.vector_load %arg4[%get3A_496] {strides = array<i32>} : memref<512xf32, #tpu.memory_space<vmem>>, vector<16xf32>,
    %get3A_498 = vector.shape_cast %get3A_497 : vector<16xf32> to vector<16xf32>
    %get3A_499 = arith.constant 416 : index
    %get3A_500 = tpu.vector_load %arg4[%get3A_499] {strides = array<i32>} : memref<512xf32, #tpu.memory_space<vmem>>, vector<16xf32>,
    %get3A_501 = vector.shape_cast %get3A_500 : vector<16xf32> to vector<16xf32>
    %get3A_502 = arith.constant 480 : index
    %get3A_503 = tpu.vector_load %arg4[%get3A_502] {strides = array<i32>} : memref<512xf32, #tpu.memory_space<vmem>>, vector<16xf32>,
    %get3A_504 = vector.shape_cast %get3A_503 : vector<16xf32> to vector<16xf32>
    %max3A_505 = arith.maximumf %get3A_483, %get3A_486 : vector<16xf32>
    %max3A_506 = arith.maximumf %max3A_505, %get3A_489 : vector<16xf32>
    %max3A_507 = arith.maximumf %max3A_506, %get3A_492 : vector<16xf32>
    %max3A_508 = arith.maximumf %max3A_507, %get3A_495 : vector<16xf32>
    %max3A_509 = arith.maximumf %max3A_508, %get3A_498 : vector<16xf32>
    %max3A_510 = arith.maximumf %max3A_509, %get3A_501 : vector<16xf32>
    %max3A_511 = arith.maximumf %max3A_510, %get3A_504 : vector<16xf32>
    %sub3A_512 = arith.subf %get3A_483, %max3A_511 : vector<16xf32>
    %exp3A_513 = math.exp %sub3A_512 : vector<16xf32>
    %sub3A_514 = arith.subf %get3A_486, %max3A_511 : vector<16xf32>
    %exp3A_515 = math.exp %sub3A_514 : vector<16xf32>
    %sub3A_516 = arith.subf %get3A_489, %max3A_511 : vector<16xf32>
    %exp3A_517 = math.exp %sub3A_516 : vector<16xf32>
    %sub3A_518 = arith.subf %get3A_492, %max3A_511 : vector<16xf32>
    %exp3A_519 = math.exp %sub3A_518 : vector<16xf32>
    %sub3A_520 = arith.subf %get3A_495, %max3A_511 : vector<16xf32>
    %exp3A_521 = math.exp %sub3A_520 : vector<16xf32>
    %sub3A_522 = arith.subf %get3A_498, %max3A_511 : vector<16xf32>
    %exp3A_523 = math.exp %sub3A_522 : vector<16xf32>
    %sub3A_524 = arith.subf %get3A_501, %max3A_511 : vector<16xf32>
    %exp3A_525 = math.exp %sub3A_524 : vector<16xf32>
    %sub3A_526 = arith.subf %get3A_504, %max3A_511 : vector<16xf32>
    %exp3A_527 = math.exp %sub3A_526 : vector<16xf32>
    %add3A_528 = arith.addf %exp3A_513, %exp3A_515 : vector<16xf32>
    %add3A_529 = arith.addf %add3A_528, %exp3A_517 : vector<16xf32>
    %add3A_530 = arith.addf %add3A_529, %exp3A_519 : vector<16xf32>
    %add3A_531 = arith.addf %add3A_530, %exp3A_521 : vector<16xf32>
    %add3A_532 = arith.addf %add3A_531, %exp3A_523 : vector<16xf32>
    %add3A_533 = arith.addf %add3A_532, %exp3A_525 : vector<16xf32>
    %add3A_534 = arith.addf %add3A_533, %exp3A_527 : vector<16xf32>
    %div3A_535 = arith.divf %exp3A_513, %add3A_534 : vector<16xf32>
    %div3A_536 = arith.divf %exp3A_515, %add3A_534 : vector<16xf32>
    %div3A_537 = arith.divf %exp3A_517, %add3A_534 : vector<16xf32>
    %div3A_538 = arith.divf %exp3A_519, %add3A_534 : vector<16xf32>
    %div3A_539 = arith.divf %exp3A_521, %add3A_534 : vector<16xf32>
    %div3A_540 = arith.divf %exp3A_523, %add3A_534 : vector<16xf32>
    %div3A_541 = arith.divf %exp3A_525, %add3A_534 : vector<16xf32>
    %div3A_542 = arith.divf %exp3A_527, %add3A_534 : vector<16xf32>
    %broadcast_in_dim3A_543 = arith.constant 1.000000e+00 : f32
    %broadcast_in_dim3A_544 = vector.broadcast %broadcast_in_dim3A_543 : f32 to vector<16xf32>
    %broadcast_in_dim3A_545 = arith.constant 0.000000e+00 : f32
    %broadcast_in_dim3A_546 = vector.broadcast %broadcast_in_dim3A_545 : f32 to vector<16xf32>
    %max3A_547 = arith.maximumf %div3A_535, %div3A_536 : vector<16xf32>
    %max3A_548 = arith.maximumf %max3A_547, %div3A_537 : vector<16xf32>
    %max3A_549 = arith.maximumf %max3A_548, %div3A_538 : vector<16xf32>
    %max3A_550 = arith.maximumf %max3A_549, %div3A_539 : vector<16xf32>
    %max3A_551 = arith.maximumf %max3A_550, %div3A_540 : vector<16xf32>
    %max3A_552 = arith.maximumf %max3A_551, %div3A_541 : vector<16xf32>
    %max3A_553 = arith.maximumf %max3A_552, %div3A_542 : vector<16xf32>
    %eq3A_554 = arith.cmpf oeq, %div3A_535, %max3A_553 : vector<16xf32>
    %select_n3A_555 = arith.select %eq3A_554, %broadcast_in_dim3A_544, %broadcast_in_dim3A_546 : vector<16xi1>, vector<16xf32>
    %sub3A_556 = arith.subf %broadcast_in_dim3A_544, %broadcast_in_dim3A_546 : vector<16xf32>
    %mul3A_557 = arith.mulf %select_n3A_555, %sub3A_556 : vector<16xf32>
    %add3A_558 = arith.addf %broadcast_in_dim3A_546, %mul3A_557 : vector<16xf32>
    %eq3A_559 = arith.cmpf oeq, %div3A_536, %max3A_553 : vector<16xf32>
    %select_n3A_560 = arith.select %eq3A_559, %broadcast_in_dim3A_544, %broadcast_in_dim3A_546 : vector<16xi1>, vector<16xf32>
    %sub3A_561 = arith.subf %broadcast_in_dim3A_544, %add3A_558 : vector<16xf32>
    %mul3A_562 = arith.mulf %select_n3A_560, %sub3A_561 : vector<16xf32>
    %add3A_563 = arith.addf %add3A_558, %mul3A_562 : vector<16xf32>
    %eq3A_564 = arith.cmpf oeq, %div3A_537, %max3A_553 : vector<16xf32>
    %select_n3A_565 = arith.select %eq3A_564, %broadcast_in_dim3A_544, %broadcast_in_dim3A_546 : vector<16xi1>, vector<16xf32>
    %sub3A_566 = arith.subf %broadcast_in_dim3A_544, %add3A_563 : vector<16xf32>
    %mul3A_567 = arith.mulf %select_n3A_565, %sub3A_566 : vector<16xf32>
    %add3A_568 = arith.addf %add3A_563, %mul3A_567 : vector<16xf32>
    %eq3A_569 = arith.cmpf oeq, %div3A_538, %max3A_553 : vector<16xf32>
    %select_n3A_570 = arith.select %eq3A_569, %broadcast_in_dim3A_544, %broadcast_in_dim3A_546 : vector<16xi1>, vector<16xf32>
    %sub3A_571 = arith.subf %broadcast_in_dim3A_544, %add3A_568 : vector<16xf32>
    %mul3A_572 = arith.mulf %select_n3A_570, %sub3A_571 : vector<16xf32>
    %add3A_573 = arith.addf %add3A_568, %mul3A_572 : vector<16xf32>
    %eq3A_574 = arith.cmpf oeq, %div3A_539, %max3A_553 : vector<16xf32>
    %select_n3A_575 = arith.select %eq3A_574, %broadcast_in_dim3A_544, %broadcast_in_dim3A_546 : vector<16xi1>, vector<16xf32>
    %sub3A_576 = arith.subf %broadcast_in_dim3A_544, %add3A_573 : vector<16xf32>
    %mul3A_577 = arith.mulf %select_n3A_575, %sub3A_576 : vector<16xf32>
    %add3A_578 = arith.addf %add3A_573, %mul3A_577 : vector<16xf32>
    %eq3A_579 = arith.cmpf oeq, %div3A_540, %max3A_553 : vector<16xf32>
    %select_n3A_580 = arith.select %eq3A_579, %broadcast_in_dim3A_544, %broadcast_in_dim3A_546 : vector<16xi1>, vector<16xf32>
    %sub3A_581 = arith.subf %broadcast_in_dim3A_544, %add3A_578 : vector<16xf32>
    %mul3A_582 = arith.mulf %select_n3A_580, %sub3A_581 : vector<16xf32>
    %add3A_583 = arith.addf %add3A_578, %mul3A_582 : vector<16xf32>
    %eq3A_584 = arith.cmpf oeq, %div3A_541, %max3A_553 : vector<16xf32>
    %select_n3A_585 = arith.select %eq3A_584, %broadcast_in_dim3A_544, %broadcast_in_dim3A_546 : vector<16xi1>, vector<16xf32>
    %sub3A_586 = arith.subf %broadcast_in_dim3A_544, %add3A_583 : vector<16xf32>
    %mul3A_587 = arith.mulf %select_n3A_585, %sub3A_586 : vector<16xf32>
    %add3A_588 = arith.addf %add3A_583, %mul3A_587 : vector<16xf32>
    %eq3A_589 = arith.cmpf oeq, %div3A_542, %max3A_553 : vector<16xf32>
    %select_n3A_590 = arith.select %eq3A_589, %broadcast_in_dim3A_544, %broadcast_in_dim3A_546 : vector<16xi1>, vector<16xf32>
    %sub3A_591 = arith.subf %broadcast_in_dim3A_544, %add3A_588 : vector<16xf32>
    %mul3A_592 = arith.mulf %select_n3A_590, %sub3A_591 : vector<16xf32>
    %add3A_593 = arith.addf %add3A_588, %mul3A_592 : vector<16xf32>
    %mul3A_594 = arith.constant 2.000000e+00 : f32
    %mul3A_595 = vector.broadcast %mul3A_594 : f32 to vector<16xf32>
    %mul3A_596 = arith.mulf %mul3A_595, %mul3A_557 : vector<16xf32>
    %sub3A_597 = arith.subf %div3A_535, %mul3A_596 : vector<16xf32>
    %mul3A_598 = arith.constant 2.000000e+00 : f32
    %mul3A_599 = vector.broadcast %mul3A_598 : f32 to vector<16xf32>
    %mul3A_600 = arith.mulf %mul3A_599, %mul3A_562 : vector<16xf32>
    %sub3A_601 = arith.subf %div3A_536, %mul3A_600 : vector<16xf32>
    %mul3A_602 = arith.constant 2.000000e+00 : f32
    %mul3A_603 = vector.broadcast %mul3A_602 : f32 to vector<16xf32>
    %mul3A_604 = arith.mulf %mul3A_603, %mul3A_567 : vector<16xf32>
    %sub3A_605 = arith.subf %div3A_537, %mul3A_604 : vector<16xf32>
    %mul3A_606 = arith.constant 2.000000e+00 : f32
    %mul3A_607 = vector.broadcast %mul3A_606 : f32 to vector<16xf32>
    %mul3A_608 = arith.mulf %mul3A_607, %mul3A_572 : vector<16xf32>
    %sub3A_609 = arith.subf %div3A_538, %mul3A_608 : vector<16xf32>
    %mul3A_610 = arith.constant 2.000000e+00 : f32
    %mul3A_611 = vector.broadcast %mul3A_610 : f32 to vector<16xf32>
    %mul3A_612 = arith.mulf %mul3A_611, %mul3A_577 : vector<16xf32>
    %sub3A_613 = arith.subf %div3A_539, %mul3A_612 : vector<16xf32>
    %mul3A_614 = arith.constant 2.000000e+00 : f32
    %mul3A_615 = vector.broadcast %mul3A_614 : f32 to vector<16xf32>
    %mul3A_616 = arith.mulf %mul3A_615, %mul3A_582 : vector<16xf32>
    %sub3A_617 = arith.subf %div3A_540, %mul3A_616 : vector<16xf32>
    %mul3A_618 = arith.constant 2.000000e+00 : f32
    %mul3A_619 = vector.broadcast %mul3A_618 : f32 to vector<16xf32>
    %mul3A_620 = arith.mulf %mul3A_619, %mul3A_587 : vector<16xf32>
    %sub3A_621 = arith.subf %div3A_541, %mul3A_620 : vector<16xf32>
    %mul3A_622 = arith.constant 2.000000e+00 : f32
    %mul3A_623 = vector.broadcast %mul3A_622 : f32 to vector<16xf32>
    %mul3A_624 = arith.mulf %mul3A_623, %mul3A_592 : vector<16xf32>
    %sub3A_625 = arith.subf %div3A_542, %mul3A_624 : vector<16xf32>
    %max3A_626 = arith.maximumf %sub3A_597, %sub3A_601 : vector<16xf32>
    %max3A_627 = arith.maximumf %max3A_626, %sub3A_605 : vector<16xf32>
    %max3A_628 = arith.maximumf %max3A_627, %sub3A_609 : vector<16xf32>
    %max3A_629 = arith.maximumf %max3A_628, %sub3A_613 : vector<16xf32>
    %max3A_630 = arith.maximumf %max3A_629, %sub3A_617 : vector<16xf32>
    %max3A_631 = arith.maximumf %max3A_630, %sub3A_621 : vector<16xf32>
    %max3A_632 = arith.maximumf %max3A_631, %sub3A_625 : vector<16xf32>
    %eq3A_633 = arith.cmpf oeq, %sub3A_597, %max3A_632 : vector<16xf32>
    %select_n3A_634 = arith.select %eq3A_633, %broadcast_in_dim3A_544, %broadcast_in_dim3A_546 : vector<16xi1>, vector<16xf32>
    %sub3A_635 = arith.subf %broadcast_in_dim3A_544, %broadcast_in_dim3A_546 : vector<16xf32>
    %mul3A_636 = arith.mulf %select_n3A_634, %sub3A_635 : vector<16xf32>
    %add3A_637 = arith.addf %broadcast_in_dim3A_546, %mul3A_636 : vector<16xf32>
    %add3A_638 = arith.addf %mul3A_557, %mul3A_636 : vector<16xf32>
    %mul3A_639 = arith.mulf %div3A_535, %add3A_638 : vector<16xf32>
    %swap3A_640 = arith.constant 32 : index
    %swap3A_641 = tpu.vector_load %arg5[%swap3A_640] {strides = array<i32>} : memref<512xf32, #tpu.memory_space<vmem>>, vector<16xf32>,
    %swap3A_642 = vector.shape_cast %swap3A_641 : vector<16xf32> to vector<16xf32>
    %swap3A_643 = vector.shape_cast %mul3A_639 : vector<16xf32> to vector<16xf32>
    tpu.vector_store %arg5[%swap3A_640], %swap3A_643 {strides = array<i32>} : memref<512xf32, #tpu.memory_space<vmem>>, vector<16xf32>,
    %eq3A_644 = arith.cmpf oeq, %sub3A_601, %max3A_632 : vector<16xf32>
    %select_n3A_645 = arith.select %eq3A_644, %broadcast_in_dim3A_544, %broadcast_in_dim3A_546 : vector<16xi1>, vector<16xf32>
    %sub3A_646 = arith.subf %broadcast_in_dim3A_544, %add3A_637 : vector<16xf32>
    %mul3A_647 = arith.mulf %select_n3A_645, %sub3A_646 : vector<16xf32>
    %add3A_648 = arith.addf %add3A_637, %mul3A_647 : vector<16xf32>
    %add3A_649 = arith.addf %mul3A_562, %mul3A_647 : vector<16xf32>
    %mul3A_650 = arith.mulf %div3A_536, %add3A_649 : vector<16xf32>
    %swap3A_651 = arith.constant 96 : index
    %swap3A_652 = tpu.vector_load %arg5[%swap3A_651] {strides = array<i32>} : memref<512xf32, #tpu.memory_space<vmem>>, vector<16xf32>,
    %swap3A_653 = vector.shape_cast %swap3A_652 : vector<16xf32> to vector<16xf32>
    %swap3A_654 = vector.shape_cast %mul3A_650 : vector<16xf32> to vector<16xf32>
    tpu.vector_store %arg5[%swap3A_651], %swap3A_654 {strides = array<i32>} : memref<512xf32, #tpu.memory_space<vmem>>, vector<16xf32>,
    %eq3A_655 = arith.cmpf oeq, %sub3A_605, %max3A_632 : vector<16xf32>
    %select_n3A_656 = arith.select %eq3A_655, %broadcast_in_dim3A_544, %broadcast_in_dim3A_546 : vector<16xi1>, vector<16xf32>
    %sub3A_657 = arith.subf %broadcast_in_dim3A_544, %add3A_648 : vector<16xf32>
    %mul3A_658 = arith.mulf %select_n3A_656, %sub3A_657 : vector<16xf32>
    %add3A_659 = arith.addf %add3A_648, %mul3A_658 : vector<16xf32>
    %add3A_660 = arith.addf %mul3A_567, %mul3A_658 : vector<16xf32>
    %mul3A_661 = arith.mulf %div3A_537, %add3A_660 : vector<16xf32>
    %swap3A_662 = arith.constant 160 : index
    %swap3A_663 = tpu.vector_load %arg5[%swap3A_662] {strides = array<i32>} : memref<512xf32, #tpu.memory_space<vmem>>, vector<16xf32>,
    %swap3A_664 = vector.shape_cast %swap3A_663 : vector<16xf32> to vector<16xf32>
    %swap3A_665 = vector.shape_cast %mul3A_661 : vector<16xf32> to vector<16xf32>
    tpu.vector_store %arg5[%swap3A_662], %swap3A_665 {strides = array<i32>} : memref<512xf32, #tpu.memory_space<vmem>>, vector<16xf32>,
    %eq3A_666 = arith.cmpf oeq, %sub3A_609, %max3A_632 : vector<16xf32>
    %select_n3A_667 = arith.select %eq3A_666, %broadcast_in_dim3A_544, %broadcast_in_dim3A_546 : vector<16xi1>, vector<16xf32>
    %sub3A_668 = arith.subf %broadcast_in_dim3A_544, %add3A_659 : vector<16xf32>
    %mul3A_669 = arith.mulf %select_n3A_667, %sub3A_668 : vector<16xf32>
    %add3A_670 = arith.addf %add3A_659, %mul3A_669 : vector<16xf32>
    %add3A_671 = arith.addf %mul3A_572, %mul3A_669 : vector<16xf32>
    %mul3A_672 = arith.mulf %div3A_538, %add3A_671 : vector<16xf32>
    %swap3A_673 = arith.constant 224 : index
    %swap3A_674 = tpu.vector_load %arg5[%swap3A_673] {strides = array<i32>} : memref<512xf32, #tpu.memory_space<vmem>>, vector<16xf32>,
    %swap3A_675 = vector.shape_cast %swap3A_674 : vector<16xf32> to vector<16xf32>
    %swap3A_676 = vector.shape_cast %mul3A_672 : vector<16xf32> to vector<16xf32>
    tpu.vector_store %arg5[%swap3A_673], %swap3A_676 {strides = array<i32>} : memref<512xf32, #tpu.memory_space<vmem>>, vector<16xf32>,
    %eq3A_677 = arith.cmpf oeq, %sub3A_613, %max3A_632 : vector<16xf32>
    %select_n3A_678 = arith.select %eq3A_677, %broadcast_in_dim3A_544, %broadcast_in_dim3A_546 : vector<16xi1>, vector<16xf32>
    %sub3A_679 = arith.subf %broadcast_in_dim3A_544, %add3A_670 : vector<16xf32>
    %mul3A_680 = arith.mulf %select_n3A_678, %sub3A_679 : vector<16xf32>
    %add3A_681 = arith.addf %add3A_670, %mul3A_680 : vector<16xf32>
    %add3A_682 = arith.addf %mul3A_577, %mul3A_680 : vector<16xf32>
    %mul3A_683 = arith.mulf %div3A_539, %add3A_682 : vector<16xf32>
    %swap3A_684 = arith.constant 288 : index
    %swap3A_685 = tpu.vector_load %arg5[%swap3A_684] {strides = array<i32>} : memref<512xf32, #tpu.memory_space<vmem>>, vector<16xf32>,
    %swap3A_686 = vector.shape_cast %swap3A_685 : vector<16xf32> to vector<16xf32>
    %swap3A_687 = vector.shape_cast %mul3A_683 : vector<16xf32> to vector<16xf32>
    tpu.vector_store %arg5[%swap3A_684], %swap3A_687 {strides = array<i32>} : memref<512xf32, #tpu.memory_space<vmem>>, vector<16xf32>,
    %eq3A_688 = arith.cmpf oeq, %sub3A_617, %max3A_632 : vector<16xf32>
    %select_n3A_689 = arith.select %eq3A_688, %broadcast_in_dim3A_544, %broadcast_in_dim3A_546 : vector<16xi1>, vector<16xf32>
    %sub3A_690 = arith.subf %broadcast_in_dim3A_544, %add3A_681 : vector<16xf32>
    %mul3A_691 = arith.mulf %select_n3A_689, %sub3A_690 : vector<16xf32>
    %add3A_692 = arith.addf %add3A_681, %mul3A_691 : vector<16xf32>
    %add3A_693 = arith.addf %mul3A_582, %mul3A_691 : vector<16xf32>
    %mul3A_694 = arith.mulf %div3A_540, %add3A_693 : vector<16xf32>
    %swap3A_695 = arith.constant 352 : index
    %swap3A_696 = tpu.vector_load %arg5[%swap3A_695] {strides = array<i32>} : memref<512xf32, #tpu.memory_space<vmem>>, vector<16xf32>,
    %swap3A_697 = vector.shape_cast %swap3A_696 : vector<16xf32> to vector<16xf32>
    %swap3A_698 = vector.shape_cast %mul3A_694 : vector<16xf32> to vector<16xf32>
    tpu.vector_store %arg5[%swap3A_695], %swap3A_698 {strides = array<i32>} : memref<512xf32, #tpu.memory_space<vmem>>, vector<16xf32>,
    %eq3A_699 = arith.cmpf oeq, %sub3A_621, %max3A_632 : vector<16xf32>
    %select_n3A_700 = arith.select %eq3A_699, %broadcast_in_dim3A_544, %broadcast_in_dim3A_546 : vector<16xi1>, vector<16xf32>
    %sub3A_701 = arith.subf %broadcast_in_dim3A_544, %add3A_692 : vector<16xf32>
    %mul3A_702 = arith.mulf %select_n3A_700, %sub3A_701 : vector<16xf32>
    %add3A_703 = arith.addf %add3A_692, %mul3A_702 : vector<16xf32>
    %add3A_704 = arith.addf %mul3A_587, %mul3A_702 : vector<16xf32>
    %mul3A_705 = arith.mulf %div3A_541, %add3A_704 : vector<16xf32>
    %swap3A_706 = arith.constant 416 : index
    %swap3A_707 = tpu.vector_load %arg5[%swap3A_706] {strides = array<i32>} : memref<512xf32, #tpu.memory_space<vmem>>, vector<16xf32>,
    %swap3A_708 = vector.shape_cast %swap3A_707 : vector<16xf32> to vector<16xf32>
    %swap3A_709 = vector.shape_cast %mul3A_705 : vector<16xf32> to vector<16xf32>
    tpu.vector_store %arg5[%swap3A_706], %swap3A_709 {strides = array<i32>} : memref<512xf32, #tpu.memory_space<vmem>>, vector<16xf32>,
    %eq3A_710 = arith.cmpf oeq, %sub3A_625, %max3A_632 : vector<16xf32>
    %select_n3A_711 = arith.select %eq3A_710, %broadcast_in_dim3A_544, %broadcast_in_dim3A_546 : vector<16xi1>, vector<16xf32>
    %sub3A_712 = arith.subf %broadcast_in_dim3A_544, %add3A_703 : vector<16xf32>
    %mul3A_713 = arith.mulf %select_n3A_711, %sub3A_712 : vector<16xf32>
    %add3A_714 = arith.addf %add3A_703, %mul3A_713 : vector<16xf32>
    %add3A_715 = arith.addf %mul3A_592, %mul3A_713 : vector<16xf32>
    %mul3A_716 = arith.mulf %div3A_542, %add3A_715 : vector<16xf32>
    %swap3A_717 = arith.constant 480 : index
    %swap3A_718 = tpu.vector_load %arg5[%swap3A_717] {strides = array<i32>} : memref<512xf32, #tpu.memory_space<vmem>>, vector<16xf32>,
    %swap3A_719 = vector.shape_cast %swap3A_718 : vector<16xf32> to vector<16xf32>
    %swap3A_720 = vector.shape_cast %mul3A_716 : vector<16xf32> to vector<16xf32>
    tpu.vector_store %arg5[%swap3A_717], %swap3A_720 {strides = array<i32>} : memref<512xf32, #tpu.memory_space<vmem>>, vector<16xf32>,
    %get3A_721 = arith.constant 48 : index
    %get3A_722 = tpu.vector_load %arg4[%get3A_721] {strides = array<i32>} : memref<512xf32, #tpu.memory_space<vmem>>, vector<16xf32>,
    %get3A_723 = vector.shape_cast %get3A_722 : vector<16xf32> to vector<16xf32>
    %get3A_724 = arith.constant 112 : index
    %get3A_725 = tpu.vector_load %arg4[%get3A_724] {strides = array<i32>} : memref<512xf32, #tpu.memory_space<vmem>>, vector<16xf32>,
    %get3A_726 = vector.shape_cast %get3A_725 : vector<16xf32> to vector<16xf32>
    %get3A_727 = arith.constant 176 : index
    %get3A_728 = tpu.vector_load %arg4[%get3A_727] {strides = array<i32>} : memref<512xf32, #tpu.memory_space<vmem>>, vector<16xf32>,
    %get3A_729 = vector.shape_cast %get3A_728 : vector<16xf32> to vector<16xf32>
    %get3A_730 = arith.constant 240 : index
    %get3A_731 = tpu.vector_load %arg4[%get3A_730] {strides = array<i32>} : memref<512xf32, #tpu.memory_space<vmem>>, vector<16xf32>,
    %get3A_732 = vector.shape_cast %get3A_731 : vector<16xf32> to vector<16xf32>
    %get3A_733 = arith.constant 304 : index
    %get3A_734 = tpu.vector_load %arg4[%get3A_733] {strides = array<i32>} : memref<512xf32, #tpu.memory_space<vmem>>, vector<16xf32>,
    %get3A_735 = vector.shape_cast %get3A_734 : vector<16xf32> to vector<16xf32>
    %get3A_736 = arith.constant 368 : index
    %get3A_737 = tpu.vector_load %arg4[%get3A_736] {strides = array<i32>} : memref<512xf32, #tpu.memory_space<vmem>>, vector<16xf32>,
    %get3A_738 = vector.shape_cast %get3A_737 : vector<16xf32> to vector<16xf32>
    %get3A_739 = arith.constant 432 : index
    %get3A_740 = tpu.vector_load %arg4[%get3A_739] {strides = array<i32>} : memref<512xf32, #tpu.memory_space<vmem>>, vector<16xf32>,
    %get3A_741 = vector.shape_cast %get3A_740 : vector<16xf32> to vector<16xf32>
    %get3A_742 = arith.constant 496 : index
    %get3A_743 = tpu.vector_load %arg4[%get3A_742] {strides = array<i32>} : memref<512xf32, #tpu.memory_space<vmem>>, vector<16xf32>,
    %get3A_744 = vector.shape_cast %get3A_743 : vector<16xf32> to vector<16xf32>
    %max3A_745 = arith.maximumf %get3A_723, %get3A_726 : vector<16xf32>
    %max3A_746 = arith.maximumf %max3A_745, %get3A_729 : vector<16xf32>
    %max3A_747 = arith.maximumf %max3A_746, %get3A_732 : vector<16xf32>
    %max3A_748 = arith.maximumf %max3A_747, %get3A_735 : vector<16xf32>
    %max3A_749 = arith.maximumf %max3A_748, %get3A_738 : vector<16xf32>
    %max3A_750 = arith.maximumf %max3A_749, %get3A_741 : vector<16xf32>
    %max3A_751 = arith.maximumf %max3A_750, %get3A_744 : vector<16xf32>
    %sub3A_752 = arith.subf %get3A_723, %max3A_751 : vector<16xf32>
    %exp3A_753 = math.exp %sub3A_752 : vector<16xf32>
    %sub3A_754 = arith.subf %get3A_726, %max3A_751 : vector<16xf32>
    %exp3A_755 = math.exp %sub3A_754 : vector<16xf32>
    %sub3A_756 = arith.subf %get3A_729, %max3A_751 : vector<16xf32>
    %exp3A_757 = math.exp %sub3A_756 : vector<16xf32>
    %sub3A_758 = arith.subf %get3A_732, %max3A_751 : vector<16xf32>
    %exp3A_759 = math.exp %sub3A_758 : vector<16xf32>
    %sub3A_760 = arith.subf %get3A_735, %max3A_751 : vector<16xf32>
    %exp3A_761 = math.exp %sub3A_760 : vector<16xf32>
    %sub3A_762 = arith.subf %get3A_738, %max3A_751 : vector<16xf32>
    %exp3A_763 = math.exp %sub3A_762 : vector<16xf32>
    %sub3A_764 = arith.subf %get3A_741, %max3A_751 : vector<16xf32>
    %exp3A_765 = math.exp %sub3A_764 : vector<16xf32>
    %sub3A_766 = arith.subf %get3A_744, %max3A_751 : vector<16xf32>
    %exp3A_767 = math.exp %sub3A_766 : vector<16xf32>
    %add3A_768 = arith.addf %exp3A_753, %exp3A_755 : vector<16xf32>
    %add3A_769 = arith.addf %add3A_768, %exp3A_757 : vector<16xf32>
    %add3A_770 = arith.addf %add3A_769, %exp3A_759 : vector<16xf32>
    %add3A_771 = arith.addf %add3A_770, %exp3A_761 : vector<16xf32>
    %add3A_772 = arith.addf %add3A_771, %exp3A_763 : vector<16xf32>
    %add3A_773 = arith.addf %add3A_772, %exp3A_765 : vector<16xf32>
    %add3A_774 = arith.addf %add3A_773, %exp3A_767 : vector<16xf32>
    %div3A_775 = arith.divf %exp3A_753, %add3A_774 : vector<16xf32>
    %div3A_776 = arith.divf %exp3A_755, %add3A_774 : vector<16xf32>
    %div3A_777 = arith.divf %exp3A_757, %add3A_774 : vector<16xf32>
    %div3A_778 = arith.divf %exp3A_759, %add3A_774 : vector<16xf32>
    %div3A_779 = arith.divf %exp3A_761, %add3A_774 : vector<16xf32>
    %div3A_780 = arith.divf %exp3A_763, %add3A_774 : vector<16xf32>
    %div3A_781 = arith.divf %exp3A_765, %add3A_774 : vector<16xf32>
    %div3A_782 = arith.divf %exp3A_767, %add3A_774 : vector<16xf32>
    %broadcast_in_dim3A_783 = arith.constant 1.000000e+00 : f32
    %broadcast_in_dim3A_784 = vector.broadcast %broadcast_in_dim3A_783 : f32 to vector<16xf32>
    %broadcast_in_dim3A_785 = arith.constant 0.000000e+00 : f32
    %broadcast_in_dim3A_786 = vector.broadcast %broadcast_in_dim3A_785 : f32 to vector<16xf32>
    %max3A_787 = arith.maximumf %div3A_775, %div3A_776 : vector<16xf32>
    %max3A_788 = arith.maximumf %max3A_787, %div3A_777 : vector<16xf32>
    %max3A_789 = arith.maximumf %max3A_788, %div3A_778 : vector<16xf32>
    %max3A_790 = arith.maximumf %max3A_789, %div3A_779 : vector<16xf32>
    %max3A_791 = arith.maximumf %max3A_790, %div3A_780 : vector<16xf32>
    %max3A_792 = arith.maximumf %max3A_791, %div3A_781 : vector<16xf32>
    %max3A_793 = arith.maximumf %max3A_792, %div3A_782 : vector<16xf32>
    %eq3A_794 = arith.cmpf oeq, %div3A_775, %max3A_793 : vector<16xf32>
    %select_n3A_795 = arith.select %eq3A_794, %broadcast_in_dim3A_784, %broadcast_in_dim3A_786 : vector<16xi1>, vector<16xf32>
    %sub3A_796 = arith.subf %broadcast_in_dim3A_784, %broadcast_in_dim3A_786 : vector<16xf32>
    %mul3A_797 = arith.mulf %select_n3A_795, %sub3A_796 : vector<16xf32>
    %add3A_798 = arith.addf %broadcast_in_dim3A_786, %mul3A_797 : vector<16xf32>
    %eq3A_799 = arith.cmpf oeq, %div3A_776, %max3A_793 : vector<16xf32>
    %select_n3A_800 = arith.select %eq3A_799, %broadcast_in_dim3A_784, %broadcast_in_dim3A_786 : vector<16xi1>, vector<16xf32>
    %sub3A_801 = arith.subf %broadcast_in_dim3A_784, %add3A_798 : vector<16xf32>
    %mul3A_802 = arith.mulf %select_n3A_800, %sub3A_801 : vector<16xf32>
    %add3A_803 = arith.addf %add3A_798, %mul3A_802 : vector<16xf32>
    %eq3A_804 = arith.cmpf oeq, %div3A_777, %max3A_793 : vector<16xf32>
    %select_n3A_805 = arith.select %eq3A_804, %broadcast_in_dim3A_784, %broadcast_in_dim3A_786 : vector<16xi1>, vector<16xf32>
    %sub3A_806 = arith.subf %broadcast_in_dim3A_784, %add3A_803 : vector<16xf32>
    %mul3A_807 = arith.mulf %select_n3A_805, %sub3A_806 : vector<16xf32>
    %add3A_808 = arith.addf %add3A_803, %mul3A_807 : vector<16xf32>
    %eq3A_809 = arith.cmpf oeq, %div3A_778, %max3A_793 : vector<16xf32>
    %select_n3A_810 = arith.select %eq3A_809, %broadcast_in_dim3A_784, %broadcast_in_dim3A_786 : vector<16xi1>, vector<16xf32>
    %sub3A_811 = arith.subf %broadcast_in_dim3A_784, %add3A_808 : vector<16xf32>
    %mul3A_812 = arith.mulf %select_n3A_810, %sub3A_811 : vector<16xf32>
    %add3A_813 = arith.addf %add3A_808, %mul3A_812 : vector<16xf32>
    %eq3A_814 = arith.cmpf oeq, %div3A_779, %max3A_793 : vector<16xf32>
    %select_n3A_815 = arith.select %eq3A_814, %broadcast_in_dim3A_784, %broadcast_in_dim3A_786 : vector<16xi1>, vector<16xf32>
    %sub3A_816 = arith.subf %broadcast_in_dim3A_784, %add3A_813 : vector<16xf32>
    %mul3A_817 = arith.mulf %select_n3A_815, %sub3A_816 : vector<16xf32>
    %add3A_818 = arith.addf %add3A_813, %mul3A_817 : vector<16xf32>
    %eq3A_819 = arith.cmpf oeq, %div3A_780, %max3A_793 : vector<16xf32>
    %select_n3A_820 = arith.select %eq3A_819, %broadcast_in_dim3A_784, %broadcast_in_dim3A_786 : vector<16xi1>, vector<16xf32>
    %sub3A_821 = arith.subf %broadcast_in_dim3A_784, %add3A_818 : vector<16xf32>
    %mul3A_822 = arith.mulf %select_n3A_820, %sub3A_821 : vector<16xf32>
    %add3A_823 = arith.addf %add3A_818, %mul3A_822 : vector<16xf32>
    %eq3A_824 = arith.cmpf oeq, %div3A_781, %max3A_793 : vector<16xf32>
    %select_n3A_825 = arith.select %eq3A_824, %broadcast_in_dim3A_784, %broadcast_in_dim3A_786 : vector<16xi1>, vector<16xf32>
    %sub3A_826 = arith.subf %broadcast_in_dim3A_784, %add3A_823 : vector<16xf32>
    %mul3A_827 = arith.mulf %select_n3A_825, %sub3A_826 : vector<16xf32>
    %add3A_828 = arith.addf %add3A_823, %mul3A_827 : vector<16xf32>
    %eq3A_829 = arith.cmpf oeq, %div3A_782, %max3A_793 : vector<16xf32>
    %select_n3A_830 = arith.select %eq3A_829, %broadcast_in_dim3A_784, %broadcast_in_dim3A_786 : vector<16xi1>, vector<16xf32>
    %sub3A_831 = arith.subf %broadcast_in_dim3A_784, %add3A_828 : vector<16xf32>
    %mul3A_832 = arith.mulf %select_n3A_830, %sub3A_831 : vector<16xf32>
    %add3A_833 = arith.addf %add3A_828, %mul3A_832 : vector<16xf32>
    %mul3A_834 = arith.constant 2.000000e+00 : f32
    %mul3A_835 = vector.broadcast %mul3A_834 : f32 to vector<16xf32>
    %mul3A_836 = arith.mulf %mul3A_835, %mul3A_797 : vector<16xf32>
    %sub3A_837 = arith.subf %div3A_775, %mul3A_836 : vector<16xf32>
    %mul3A_838 = arith.constant 2.000000e+00 : f32
    %mul3A_839 = vector.broadcast %mul3A_838 : f32 to vector<16xf32>
    %mul3A_840 = arith.mulf %mul3A_839, %mul3A_802 : vector<16xf32>
    %sub3A_841 = arith.subf %div3A_776, %mul3A_840 : vector<16xf32>
    %mul3A_842 = arith.constant 2.000000e+00 : f32
    %mul3A_843 = vector.broadcast %mul3A_842 : f32 to vector<16xf32>
    %mul3A_844 = arith.mulf %mul3A_843, %mul3A_807 : vector<16xf32>
    %sub3A_845 = arith.subf %div3A_777, %mul3A_844 : vector<16xf32>
    %mul3A_846 = arith.constant 2.000000e+00 : f32
    %mul3A_847 = vector.broadcast %mul3A_846 : f32 to vector<16xf32>
    %mul3A_848 = arith.mulf %mul3A_847, %mul3A_812 : vector<16xf32>
    %sub3A_849 = arith.subf %div3A_778, %mul3A_848 : vector<16xf32>
    %mul3A_850 = arith.constant 2.000000e+00 : f32
    %mul3A_851 = vector.broadcast %mul3A_850 : f32 to vector<16xf32>
    %mul3A_852 = arith.mulf %mul3A_851, %mul3A_817 : vector<16xf32>
    %sub3A_853 = arith.subf %div3A_779, %mul3A_852 : vector<16xf32>
    %mul3A_854 = arith.constant 2.000000e+00 : f32
    %mul3A_855 = vector.broadcast %mul3A_854 : f32 to vector<16xf32>
    %mul3A_856 = arith.mulf %mul3A_855, %mul3A_822 : vector<16xf32>
    %sub3A_857 = arith.subf %div3A_780, %mul3A_856 : vector<16xf32>
    %mul3A_858 = arith.constant 2.000000e+00 : f32
    %mul3A_859 = vector.broadcast %mul3A_858 : f32 to vector<16xf32>
    %mul3A_860 = arith.mulf %mul3A_859, %mul3A_827 : vector<16xf32>
    %sub3A_861 = arith.subf %div3A_781, %mul3A_860 : vector<16xf32>
    %mul3A_862 = arith.constant 2.000000e+00 : f32
    %mul3A_863 = vector.broadcast %mul3A_862 : f32 to vector<16xf32>
    %mul3A_864 = arith.mulf %mul3A_863, %mul3A_832 : vector<16xf32>
    %sub3A_865 = arith.subf %div3A_782, %mul3A_864 : vector<16xf32>
    %max3A_866 = arith.maximumf %sub3A_837, %sub3A_841 : vector<16xf32>
    %max3A_867 = arith.maximumf %max3A_866, %sub3A_845 : vector<16xf32>
    %max3A_868 = arith.maximumf %max3A_867, %sub3A_849 : vector<16xf32>
    %max3A_869 = arith.maximumf %max3A_868, %sub3A_853 : vector<16xf32>
    %max3A_870 = arith.maximumf %max3A_869, %sub3A_857 : vector<16xf32>
    %max3A_871 = arith.maximumf %max3A_870, %sub3A_861 : vector<16xf32>
    %max3A_872 = arith.maximumf %max3A_871, %sub3A_865 : vector<16xf32>
    %eq3A_873 = arith.cmpf oeq, %sub3A_837, %max3A_872 : vector<16xf32>
    %select_n3A_874 = arith.select %eq3A_873, %broadcast_in_dim3A_784, %broadcast_in_dim3A_786 : vector<16xi1>, vector<16xf32>
    %sub3A_875 = arith.subf %broadcast_in_dim3A_784, %broadcast_in_dim3A_786 : vector<16xf32>
    %mul3A_876 = arith.mulf %select_n3A_874, %sub3A_875 : vector<16xf32>
    %add3A_877 = arith.addf %broadcast_in_dim3A_786, %mul3A_876 : vector<16xf32>
    %add3A_878 = arith.addf %mul3A_797, %mul3A_876 : vector<16xf32>
    %mul3A_879 = arith.mulf %div3A_775, %add3A_878 : vector<16xf32>
    %swap3A_880 = arith.constant 48 : index
    %swap3A_881 = tpu.vector_load %arg5[%swap3A_880] {strides = array<i32>} : memref<512xf32, #tpu.memory_space<vmem>>, vector<16xf32>,
    %swap3A_882 = vector.shape_cast %swap3A_881 : vector<16xf32> to vector<16xf32>
    %swap3A_883 = vector.shape_cast %mul3A_879 : vector<16xf32> to vector<16xf32>
    tpu.vector_store %arg5[%swap3A_880], %swap3A_883 {strides = array<i32>} : memref<512xf32, #tpu.memory_space<vmem>>, vector<16xf32>,
    %eq3A_884 = arith.cmpf oeq, %sub3A_841, %max3A_872 : vector<16xf32>
    %select_n3A_885 = arith.select %eq3A_884, %broadcast_in_dim3A_784, %broadcast_in_dim3A_786 : vector<16xi1>, vector<16xf32>
    %sub3A_886 = arith.subf %broadcast_in_dim3A_784, %add3A_877 : vector<16xf32>
    %mul3A_887 = arith.mulf %select_n3A_885, %sub3A_886 : vector<16xf32>
    %add3A_888 = arith.addf %add3A_877, %mul3A_887 : vector<16xf32>
    %add3A_889 = arith.addf %mul3A_802, %mul3A_887 : vector<16xf32>
    %mul3A_890 = arith.mulf %div3A_776, %add3A_889 : vector<16xf32>
    %swap3A_891 = arith.constant 112 : index
    %swap3A_892 = tpu.vector_load %arg5[%swap3A_891] {strides = array<i32>} : memref<512xf32, #tpu.memory_space<vmem>>, vector<16xf32>,
    %swap3A_893 = vector.shape_cast %swap3A_892 : vector<16xf32> to vector<16xf32>
    %swap3A_894 = vector.shape_cast %mul3A_890 : vector<16xf32> to vector<16xf32>
    tpu.vector_store %arg5[%swap3A_891], %swap3A_894 {strides = array<i32>} : memref<512xf32, #tpu.memory_space<vmem>>, vector<16xf32>,
    %eq3A_895 = arith.cmpf oeq, %sub3A_845, %max3A_872 : vector<16xf32>
    %select_n3A_896 = arith.select %eq3A_895, %broadcast_in_dim3A_784, %broadcast_in_dim3A_786 : vector<16xi1>, vector<16xf32>
    %sub3A_897 = arith.subf %broadcast_in_dim3A_784, %add3A_888 : vector<16xf32>
    %mul3A_898 = arith.mulf %select_n3A_896, %sub3A_897 : vector<16xf32>
    %add3A_899 = arith.addf %add3A_888, %mul3A_898 : vector<16xf32>
    %add3A_900 = arith.addf %mul3A_807, %mul3A_898 : vector<16xf32>
    %mul3A_901 = arith.mulf %div3A_777, %add3A_900 : vector<16xf32>
    %swap3A_902 = arith.constant 176 : index
    %swap3A_903 = tpu.vector_load %arg5[%swap3A_902] {strides = array<i32>} : memref<512xf32, #tpu.memory_space<vmem>>, vector<16xf32>,
    %swap3A_904 = vector.shape_cast %swap3A_903 : vector<16xf32> to vector<16xf32>
    %swap3A_905 = vector.shape_cast %mul3A_901 : vector<16xf32> to vector<16xf32>
    tpu.vector_store %arg5[%swap3A_902], %swap3A_905 {strides = array<i32>} : memref<512xf32, #tpu.memory_space<vmem>>, vector<16xf32>,
    %eq3A_906 = arith.cmpf oeq, %sub3A_849, %max3A_872 : vector<16xf32>
    %select_n3A_907 = arith.select %eq3A_906, %broadcast_in_dim3A_784, %broadcast_in_dim3A_786 : vector<16xi1>, vector<16xf32>
    %sub3A_908 = arith.subf %broadcast_in_dim3A_784, %add3A_899 : vector<16xf32>
    %mul3A_909 = arith.mulf %select_n3A_907, %sub3A_908 : vector<16xf32>
    %add3A_910 = arith.addf %add3A_899, %mul3A_909 : vector<16xf32>
    %add3A_911 = arith.addf %mul3A_812, %mul3A_909 : vector<16xf32>
    %mul3A_912 = arith.mulf %div3A_778, %add3A_911 : vector<16xf32>
    %swap3A_913 = arith.constant 240 : index
    %swap3A_914 = tpu.vector_load %arg5[%swap3A_913] {strides = array<i32>} : memref<512xf32, #tpu.memory_space<vmem>>, vector<16xf32>,
    %swap3A_915 = vector.shape_cast %swap3A_914 : vector<16xf32> to vector<16xf32>
    %swap3A_916 = vector.shape_cast %mul3A_912 : vector<16xf32> to vector<16xf32>
    tpu.vector_store %arg5[%swap3A_913], %swap3A_916 {strides = array<i32>} : memref<512xf32, #tpu.memory_space<vmem>>, vector<16xf32>,
    %eq3A_917 = arith.cmpf oeq, %sub3A_853, %max3A_872 : vector<16xf32>
    %select_n3A_918 = arith.select %eq3A_917, %broadcast_in_dim3A_784, %broadcast_in_dim3A_786 : vector<16xi1>, vector<16xf32>
    %sub3A_919 = arith.subf %broadcast_in_dim3A_784, %add3A_910 : vector<16xf32>
    %mul3A_920 = arith.mulf %select_n3A_918, %sub3A_919 : vector<16xf32>
    %add3A_921 = arith.addf %add3A_910, %mul3A_920 : vector<16xf32>
    %add3A_922 = arith.addf %mul3A_817, %mul3A_920 : vector<16xf32>
    %mul3A_923 = arith.mulf %div3A_779, %add3A_922 : vector<16xf32>
    %swap3A_924 = arith.constant 304 : index
    %swap3A_925 = tpu.vector_load %arg5[%swap3A_924] {strides = array<i32>} : memref<512xf32, #tpu.memory_space<vmem>>, vector<16xf32>,
    %swap3A_926 = vector.shape_cast %swap3A_925 : vector<16xf32> to vector<16xf32>
    %swap3A_927 = vector.shape_cast %mul3A_923 : vector<16xf32> to vector<16xf32>
    tpu.vector_store %arg5[%swap3A_924], %swap3A_927 {strides = array<i32>} : memref<512xf32, #tpu.memory_space<vmem>>, vector<16xf32>,
    %eq3A_928 = arith.cmpf oeq, %sub3A_857, %max3A_872 : vector<16xf32>
    %select_n3A_929 = arith.select %eq3A_928, %broadcast_in_dim3A_784, %broadcast_in_dim3A_786 : vector<16xi1>, vector<16xf32>
    %sub3A_930 = arith.subf %broadcast_in_dim3A_784, %add3A_921 : vector<16xf32>
    %mul3A_931 = arith.mulf %select_n3A_929, %sub3A_930 : vector<16xf32>
    %add3A_932 = arith.addf %add3A_921, %mul3A_931 : vector<16xf32>
    %add3A_933 = arith.addf %mul3A_822, %mul3A_931 : vector<16xf32>
    %mul3A_934 = arith.mulf %div3A_780, %add3A_933 : vector<16xf32>
    %swap3A_935 = arith.constant 368 : index
    %swap3A_936 = tpu.vector_load %arg5[%swap3A_935] {strides = array<i32>} : memref<512xf32, #tpu.memory_space<vmem>>, vector<16xf32>,
    %swap3A_937 = vector.shape_cast %swap3A_936 : vector<16xf32> to vector<16xf32>
    %swap3A_938 = vector.shape_cast %mul3A_934 : vector<16xf32> to vector<16xf32>
    tpu.vector_store %arg5[%swap3A_935], %swap3A_938 {strides = array<i32>} : memref<512xf32, #tpu.memory_space<vmem>>, vector<16xf32>,
    %eq3A_939 = arith.cmpf oeq, %sub3A_861, %max3A_872 : vector<16xf32>
    %select_n3A_940 = arith.select %eq3A_939, %broadcast_in_dim3A_784, %broadcast_in_dim3A_786 : vector<16xi1>, vector<16xf32>
    %sub3A_941 = arith.subf %broadcast_in_dim3A_784, %add3A_932 : vector<16xf32>
    %mul3A_942 = arith.mulf %select_n3A_940, %sub3A_941 : vector<16xf32>
    %add3A_943 = arith.addf %add3A_932, %mul3A_942 : vector<16xf32>
    %add3A_944 = arith.addf %mul3A_827, %mul3A_942 : vector<16xf32>
    %mul3A_945 = arith.mulf %div3A_781, %add3A_944 : vector<16xf32>
    %swap3A_946 = arith.constant 432 : index
    %swap3A_947 = tpu.vector_load %arg5[%swap3A_946] {strides = array<i32>} : memref<512xf32, #tpu.memory_space<vmem>>, vector<16xf32>,
    %swap3A_948 = vector.shape_cast %swap3A_947 : vector<16xf32> to vector<16xf32>
    %swap3A_949 = vector.shape_cast %mul3A_945 : vector<16xf32> to vector<16xf32>
    tpu.vector_store %arg5[%swap3A_946], %swap3A_949 {strides = array<i32>} : memref<512xf32, #tpu.memory_space<vmem>>, vector<16xf32>,
    %eq3A_950 = arith.cmpf oeq, %sub3A_865, %max3A_872 : vector<16xf32>
    %select_n3A_951 = arith.select %eq3A_950, %broadcast_in_dim3A_784, %broadcast_in_dim3A_786 : vector<16xi1>, vector<16xf32>
    %sub3A_952 = arith.subf %broadcast_in_dim3A_784, %add3A_943 : vector<16xf32>
    %mul3A_953 = arith.mulf %select_n3A_951, %sub3A_952 : vector<16xf32>
    %add3A_954 = arith.addf %add3A_943, %mul3A_953 : vector<16xf32>
    %add3A_955 = arith.addf %mul3A_832, %mul3A_953 : vector<16xf32>
    %mul3A_956 = arith.mulf %div3A_782, %add3A_955 : vector<16xf32>
    %swap3A_957 = arith.constant 496 : index
    %swap3A_958 = tpu.vector_load %arg5[%swap3A_957] {strides = array<i32>} : memref<512xf32, #tpu.memory_space<vmem>>, vector<16xf32>,
    %swap3A_959 = vector.shape_cast %swap3A_958 : vector<16xf32> to vector<16xf32>
    %swap3A_960 = vector.shape_cast %mul3A_956 : vector<16xf32> to vector<16xf32>
    tpu.vector_store %arg5[%swap3A_957], %swap3A_960 {strides = array<i32>} : memref<512xf32, #tpu.memory_space<vmem>>, vector<16xf32>,
    %mul3A_961 = arith.constant 8 : i32
    %mul3A_962 = arith.muli %mul3A_2, %mul3A_961 : i32
    "tpu.region"() ({
      %run_scoped3A_963 = tpu.sem_alloc : memref<!tpu.dma_semaphore, #tpu.memory_space<semaphore_mem>>
      %dma_start3A = tpu.memref_slice %arg3[%mul3A_962] : memref<16384xf32, #tpu.memory_space<hbm>> -> memref<512xf32, #tpu.memory_space<hbm>>
      %dma_start3A_964 = tpu.memref_slice %arg3[%mul3A_962] : memref<16384xf32, #tpu.memory_space<hbm>> -> memref<512xf32, #tpu.memory_space<hbm>>
      tpu.enqueue_dma source(%arg5 : memref<512xf32, #tpu.memory_space<vmem>>) target(%dma_start3A_964 : memref<512xf32, #tpu.memory_space<hbm>>) target_semaphore(%run_scoped3A_963 : memref<!tpu.dma_semaphore, #tpu.memory_space<semaphore_mem>>)
      %dma_wait3A = tpu.memref_slice %arg3[%mul3A_962] : memref<16384xf32, #tpu.memory_space<hbm>> -> memref<512xf32, #tpu.memory_space<hbm>>
      %dma_wait3A_965 = tpu.memref_slice %arg3[%mul3A_962] : memref<16384xf32, #tpu.memory_space<hbm>> -> memref<512xf32, #tpu.memory_space<hbm>>
      tpu.wait_dma2 semaphore(%run_scoped3A_963 : memref<!tpu.dma_semaphore, #tpu.memory_space<semaphore_mem>>) src(%arg5 : memref<512xf32, #tpu.memory_space<vmem>>) dst(%dma_wait3A_965 : memref<512xf32, #tpu.memory_space<hbm>>)
      tpu.yield
    }) : () -> ()
    return
  }
}

module attributes {stable_mosaic.version = 14 : i64} {
  func.func @_moe_body(%arg0: i32, %arg1: memref<256x2048xf32, #tpu.memory_space<vmem>>, %arg2: memref<256x8xf32, #tpu.memory_space<vmem>>, %arg3: memref<256x8xf32, #tpu.memory_space<vmem>>, %arg4: memref<2048x2048xbf16, #tpu.memory_space<vmem>>, %arg5: memref<2048x2048xbf16, #tpu.memory_space<vmem>>, %arg6: memref<8x1024x128xbf16, #tpu.memory_space<vmem>>, %arg7: memref<8x1024x128xbf16, #tpu.memory_space<vmem>>, %arg8: memref<8x128x1024xbf16, #tpu.memory_space<vmem>>, %arg9: memref<2048x1024xbf16, #tpu.memory_space<vmem>>, %arg10: memref<2048x1024xbf16, #tpu.memory_space<vmem>>, %arg11: memref<256x2048xf32, #tpu.memory_space<vmem>>, %arg12: memref<256x8xf32, #tpu.memory_space<vmem>>) attributes {dimension_semantics = [#tpu.dimension_semantics<arbitrary>], iteration_bounds = array<i64: 8>, scalar_prefetch = 0 : i64, scratch_operands = 0 : i64, tpu.core_type = #tpu.core_type<tc>, window_params = [{transform_indices = @transform_0, window_bounds = array<i64: 256, 2048>}, {transform_indices = @transform_1, window_bounds = array<i64: 256, 8>}, {transform_indices = @transform_2, window_bounds = array<i64: 256, 8>}, {pipeline_mode = #tpu.pipeline_mode<synchronous>, transform_indices = @transform_3, window_bounds = array<i64: 2048, 2048>}, {pipeline_mode = #tpu.pipeline_mode<synchronous>, transform_indices = @transform_4, window_bounds = array<i64: 2048, 2048>}, {pipeline_mode = #tpu.pipeline_mode<synchronous>, transform_indices = @transform_5, window_bounds = array<i64: 8, 1024, 128>}, {pipeline_mode = #tpu.pipeline_mode<synchronous>, transform_indices = @transform_6, window_bounds = array<i64: 8, 1024, 128>}, {pipeline_mode = #tpu.pipeline_mode<synchronous>, transform_indices = @transform_7, window_bounds = array<i64: 8, 128, 1024>}, {pipeline_mode = #tpu.pipeline_mode<synchronous>, transform_indices = @transform_8, window_bounds = array<i64: 2048, 1024>}, {pipeline_mode = #tpu.pipeline_mode<synchronous>, transform_indices = @transform_9, window_bounds = array<i64: 2048, 1024>}, {transform_indices = @transform_10, window_bounds = array<i64: 256, 2048>}, {transform_indices = @transform_11, window_bounds = array<i64: 256, 8>}]} {
    %get3A = arith.constant 0 : index
    %get3A_0 = arith.constant 0 : index
    %get3A_1 = vector.load %arg2[%get3A, %get3A_0] : memref<256x8xf32, #tpu.memory_space<vmem>>, vector<256x8xf32>
    %swap3A = arith.constant 0 : index
    %swap3A_2 = arith.constant 0 : index
    %swap3A_3 = vector.load %arg12[%swap3A, %swap3A_2] : memref<256x8xf32, #tpu.memory_space<vmem>>, vector<256x8xf32>
    tpu.vector_store %arg12[%swap3A, %swap3A_2], %get3A_1 {strides = array<i32>} : memref<256x8xf32, #tpu.memory_space<vmem>>, vector<256x8xf32>,
    %get3A_4 = arith.constant 0 : index
    %get3A_5 = arith.constant 0 : index
    %get3A_6 = vector.load %arg3[%get3A_4, %get3A_5] : memref<256x8xf32, #tpu.memory_space<vmem>>, vector<256x8xf32>
    %get3A_7 = arith.constant 0 : index
    %get3A_8 = arith.constant 0 : index
    %get3A_9 = vector.load %arg1[%get3A_7, %get3A_8] : memref<256x2048xf32, #tpu.memory_space<vmem>>, vector<256x2048xf32>
    %convert_element_type3A = arith.truncf %get3A_9 : vector<256x2048xf32> to vector<256x2048xbf16>
    %get3A_10 = arith.constant 0 : index
    %get3A_11 = arith.constant 0 : index
    %get3A_12 = vector.load %arg4[%get3A_10, %get3A_11] : memref<2048x2048xbf16, #tpu.memory_space<vmem>>, vector<2048x2048xbf16>
    %dot_general3A = arith.constant dense<0.000000e+00> : vector<256x2048xf32>
    %dot_general3A_13 = tpu.matmul %convert_element_type3A, %get3A_12, %dot_general3A {dimension_numbers = #tpu.dot_dimension_numbers<[1], [1], [0], [0], [0, 0, 1, 0], [], []>, transpose_lhs_hint = false} : vector<256x2048xbf16>, vector<2048x2048xbf16>, vector<256x2048xf32> -> vector<256x2048xf32>
    %get3A_14 = arith.constant 0 : index
    %get3A_15 = arith.constant 0 : index
    %get3A_16 = vector.load %arg5[%get3A_14, %get3A_15] : memref<2048x2048xbf16, #tpu.memory_space<vmem>>, vector<2048x2048xbf16>
    %dot_general3A_17 = arith.constant dense<0.000000e+00> : vector<256x2048xf32>
    %dot_general3A_18 = tpu.matmul %convert_element_type3A, %get3A_16, %dot_general3A_17 {dimension_numbers = #tpu.dot_dimension_numbers<[1], [1], [0], [0], [0, 0, 1, 0], [], []>, transpose_lhs_hint = false} : vector<256x2048xbf16>, vector<2048x2048xbf16>, vector<256x2048xf32> -> vector<256x2048xf32>
    %slice3A = vector.extract_strided_slice %dot_general3A_13 {offsets = [0, 0], sizes = [256, 1024], strides = [1, 1]} : vector<256x2048xf32> to vector<256x1024xf32>
    %slice3A_19 = vector.extract_strided_slice %dot_general3A_13 {offsets = [0, 1024], sizes = [256, 1024], strides = [1, 1]} : vector<256x2048xf32> to vector<256x1024xf32>
    %broadcast_in_dim3A = arith.constant 0.000000e+00 : f32
    %broadcast_in_dim3A_20 = vector.broadcast %broadcast_in_dim3A : f32 to vector<256x1024xf32>
    %slice3A_21 = vector.extract_strided_slice %dot_general3A_18 {offsets = [0, 0], sizes = [256, 128], strides = [1, 1]} : vector<256x2048xf32> to vector<256x128xf32>
    %convert_element_type3A_22 = arith.truncf %slice3A_21 : vector<256x128xf32> to vector<256x128xbf16>
    %slice3A_23 = vector.extract_strided_slice %dot_general3A_18 {offsets = [0, 128], sizes = [256, 128], strides = [1, 1]} : vector<256x2048xf32> to vector<256x128xf32>
    %convert_element_type3A_24 = arith.truncf %slice3A_23 : vector<256x128xf32> to vector<256x128xbf16>
    %get3A_25 = arith.constant 0 : index
    %get3A_26 = arith.constant 0 : index
    %get3A_27 = arith.constant 0 : index
    %get3A_28 = vector.load %arg6[%get3A_25, %get3A_26, %get3A_27] : memref<8x1024x128xbf16, #tpu.memory_space<vmem>>, vector<1x1024x128xbf16>
    %get3A_29 = vector.shape_cast %get3A_28 : vector<1x1024x128xbf16> to vector<1024x128xbf16>
    %dot_general3A_30 = arith.constant dense<0.000000e+00> : vector<256x1024xf32>
    %dot_general3A_31 = tpu.matmul %convert_element_type3A_22, %get3A_29, %dot_general3A_30 {dimension_numbers = #tpu.dot_dimension_numbers<[1], [1], [0], [0], [0, 0, 1, 0], [], []>, transpose_lhs_hint = false} : vector<256x128xbf16>, vector<1024x128xbf16>, vector<256x1024xf32> -> vector<256x1024xf32>
    %add3A = arith.addf %slice3A, %dot_general3A_31 : vector<256x1024xf32>
    %get3A_32 = arith.constant 0 : index
    %get3A_33 = arith.constant 0 : index
    %get3A_34 = arith.constant 0 : index
    %get3A_35 = vector.load %arg7[%get3A_32, %get3A_33, %get3A_34] : memref<8x1024x128xbf16, #tpu.memory_space<vmem>>, vector<1x1024x128xbf16>
    %get3A_36 = vector.shape_cast %get3A_35 : vector<1x1024x128xbf16> to vector<1024x128xbf16>
    %dot_general3A_37 = arith.constant dense<0.000000e+00> : vector<256x1024xf32>
    %dot_general3A_38 = tpu.matmul %convert_element_type3A_24, %get3A_36, %dot_general3A_37 {dimension_numbers = #tpu.dot_dimension_numbers<[1], [1], [0], [0], [0, 0, 1, 0], [], []>, transpose_lhs_hint = false} : vector<256x128xbf16>, vector<1024x128xbf16>, vector<256x1024xf32> -> vector<256x1024xf32>
    %add3A_39 = arith.addf %slice3A_19, %dot_general3A_38 : vector<256x1024xf32>
    %logistic3A = arith.negf %add3A : vector<256x1024xf32>
    %logistic3A_40 = math.exp %logistic3A : vector<256x1024xf32>
    %logistic3A_41 = arith.constant 1.000000e+00 : f32
    %logistic3A_42 = vector.broadcast %logistic3A_41 : f32 to vector<256x1024xf32>
    %logistic3A_43 = arith.addf %logistic3A_42, %logistic3A_40 : vector<256x1024xf32>
    %logistic3A_44 = arith.divf %logistic3A_42, %logistic3A_43 : vector<256x1024xf32>
    %mul3A = arith.mulf %add3A, %logistic3A_44 : vector<256x1024xf32>
    %mul3A_45 = arith.mulf %mul3A, %add3A_39 : vector<256x1024xf32>
    %slice3A_46 = vector.extract_strided_slice %get3A_6 {offsets = [0, 0], sizes = [256, 1], strides = [1, 1]} : vector<256x8xf32> to vector<256x1xf32>
    %mul3A_47 = vector.broadcast %slice3A_46 : vector<256x1xf32> to vector<256x1024xf32>
    %mul3A_48 = arith.mulf %mul3A_45, %mul3A_47 : vector<256x1024xf32>
    %add3A_49 = arith.addf %broadcast_in_dim3A_20, %mul3A_48 : vector<256x1024xf32>
    %convert_element_type3A_50 = arith.truncf %mul3A_45 : vector<256x1024xf32> to vector<256x1024xbf16>
    %get3A_51 = arith.constant 0 : index
    %get3A_52 = arith.constant 0 : index
    %get3A_53 = arith.constant 0 : index
    %get3A_54 = vector.load %arg8[%get3A_51, %get3A_52, %get3A_53] : memref<8x128x1024xbf16, #tpu.memory_space<vmem>>, vector<1x128x1024xbf16>
    %get3A_55 = vector.shape_cast %get3A_54 : vector<1x128x1024xbf16> to vector<128x1024xbf16>
    %dot_general3A_56 = arith.constant dense<0.000000e+00> : vector<256x128xf32>
    %dot_general3A_57 = tpu.matmul %convert_element_type3A_50, %get3A_55, %dot_general3A_56 {dimension_numbers = #tpu.dot_dimension_numbers<[1], [1], [0], [0], [0, 0, 1, 0], [], []>, transpose_lhs_hint = false} : vector<256x1024xbf16>, vector<128x1024xbf16>, vector<256x128xf32> -> vector<256x128xf32>
    %mul3A_58 = vector.broadcast %slice3A_46 : vector<256x1xf32> to vector<256x128xf32>
    %mul3A_59 = arith.mulf %dot_general3A_57, %mul3A_58 : vector<256x128xf32>
    %slice3A_60 = vector.extract_strided_slice %dot_general3A_18 {offsets = [0, 256], sizes = [256, 128], strides = [1, 1]} : vector<256x2048xf32> to vector<256x128xf32>
    %convert_element_type3A_61 = arith.truncf %slice3A_60 : vector<256x128xf32> to vector<256x128xbf16>
    %slice3A_62 = vector.extract_strided_slice %dot_general3A_18 {offsets = [0, 384], sizes = [256, 128], strides = [1, 1]} : vector<256x2048xf32> to vector<256x128xf32>
    %convert_element_type3A_63 = arith.truncf %slice3A_62 : vector<256x128xf32> to vector<256x128xbf16>
    %get3A_64 = arith.constant 1 : index
    %get3A_65 = arith.constant 0 : index
    %get3A_66 = arith.constant 0 : index
    %get3A_67 = vector.load %arg6[%get3A_64, %get3A_65, %get3A_66] : memref<8x1024x128xbf16, #tpu.memory_space<vmem>>, vector<1x1024x128xbf16>
    %get3A_68 = vector.shape_cast %get3A_67 : vector<1x1024x128xbf16> to vector<1024x128xbf16>
    %dot_general3A_69 = arith.constant dense<0.000000e+00> : vector<256x1024xf32>
    %dot_general3A_70 = tpu.matmul %convert_element_type3A_61, %get3A_68, %dot_general3A_69 {dimension_numbers = #tpu.dot_dimension_numbers<[1], [1], [0], [0], [0, 0, 1, 0], [], []>, transpose_lhs_hint = false} : vector<256x128xbf16>, vector<1024x128xbf16>, vector<256x1024xf32> -> vector<256x1024xf32>
    %add3A_71 = arith.addf %slice3A, %dot_general3A_70 : vector<256x1024xf32>
    %get3A_72 = arith.constant 1 : index
    %get3A_73 = arith.constant 0 : index
    %get3A_74 = arith.constant 0 : index
    %get3A_75 = vector.load %arg7[%get3A_72, %get3A_73, %get3A_74] : memref<8x1024x128xbf16, #tpu.memory_space<vmem>>, vector<1x1024x128xbf16>
    %get3A_76 = vector.shape_cast %get3A_75 : vector<1x1024x128xbf16> to vector<1024x128xbf16>
    %dot_general3A_77 = arith.constant dense<0.000000e+00> : vector<256x1024xf32>
    %dot_general3A_78 = tpu.matmul %convert_element_type3A_63, %get3A_76, %dot_general3A_77 {dimension_numbers = #tpu.dot_dimension_numbers<[1], [1], [0], [0], [0, 0, 1, 0], [], []>, transpose_lhs_hint = false} : vector<256x128xbf16>, vector<1024x128xbf16>, vector<256x1024xf32> -> vector<256x1024xf32>
    %add3A_79 = arith.addf %slice3A_19, %dot_general3A_78 : vector<256x1024xf32>
    %logistic3A_80 = arith.negf %add3A_71 : vector<256x1024xf32>
    %logistic3A_81 = math.exp %logistic3A_80 : vector<256x1024xf32>
    %logistic3A_82 = arith.constant 1.000000e+00 : f32
    %logistic3A_83 = vector.broadcast %logistic3A_82 : f32 to vector<256x1024xf32>
    %logistic3A_84 = arith.addf %logistic3A_83, %logistic3A_81 : vector<256x1024xf32>
    %logistic3A_85 = arith.divf %logistic3A_83, %logistic3A_84 : vector<256x1024xf32>
    %mul3A_86 = arith.mulf %add3A_71, %logistic3A_85 : vector<256x1024xf32>
    %mul3A_87 = arith.mulf %mul3A_86, %add3A_79 : vector<256x1024xf32>
    %slice3A_88 = vector.extract_strided_slice %get3A_6 {offsets = [0, 1], sizes = [256, 1], strides = [1, 1]} : vector<256x8xf32> to vector<256x1xf32>
    %mul3A_89 = vector.broadcast %slice3A_88 : vector<256x1xf32> to vector<256x1024xf32>
    %mul3A_90 = arith.mulf %mul3A_87, %mul3A_89 : vector<256x1024xf32>
    %add3A_91 = arith.addf %add3A_49, %mul3A_90 : vector<256x1024xf32>
    %convert_element_type3A_92 = arith.truncf %mul3A_87 : vector<256x1024xf32> to vector<256x1024xbf16>
    %get3A_93 = arith.constant 1 : index
    %get3A_94 = arith.constant 0 : index
    %get3A_95 = arith.constant 0 : index
    %get3A_96 = vector.load %arg8[%get3A_93, %get3A_94, %get3A_95] : memref<8x128x1024xbf16, #tpu.memory_space<vmem>>, vector<1x128x1024xbf16>
    %get3A_97 = vector.shape_cast %get3A_96 : vector<1x128x1024xbf16> to vector<128x1024xbf16>
    %dot_general3A_98 = arith.constant dense<0.000000e+00> : vector<256x128xf32>
    %dot_general3A_99 = tpu.matmul %convert_element_type3A_92, %get3A_97, %dot_general3A_98 {dimension_numbers = #tpu.dot_dimension_numbers<[1], [1], [0], [0], [0, 0, 1, 0], [], []>, transpose_lhs_hint = false} : vector<256x1024xbf16>, vector<128x1024xbf16>, vector<256x128xf32> -> vector<256x128xf32>
    %mul3A_100 = vector.broadcast %slice3A_88 : vector<256x1xf32> to vector<256x128xf32>
    %mul3A_101 = arith.mulf %dot_general3A_99, %mul3A_100 : vector<256x128xf32>
    %slice3A_102 = vector.extract_strided_slice %dot_general3A_18 {offsets = [0, 512], sizes = [256, 128], strides = [1, 1]} : vector<256x2048xf32> to vector<256x128xf32>
    %convert_element_type3A_103 = arith.truncf %slice3A_102 : vector<256x128xf32> to vector<256x128xbf16>
    %slice3A_104 = vector.extract_strided_slice %dot_general3A_18 {offsets = [0, 640], sizes = [256, 128], strides = [1, 1]} : vector<256x2048xf32> to vector<256x128xf32>
    %convert_element_type3A_105 = arith.truncf %slice3A_104 : vector<256x128xf32> to vector<256x128xbf16>
    %get3A_106 = arith.constant 2 : index
    %get3A_107 = arith.constant 0 : index
    %get3A_108 = arith.constant 0 : index
    %get3A_109 = vector.load %arg6[%get3A_106, %get3A_107, %get3A_108] : memref<8x1024x128xbf16, #tpu.memory_space<vmem>>, vector<1x1024x128xbf16>
    %get3A_110 = vector.shape_cast %get3A_109 : vector<1x1024x128xbf16> to vector<1024x128xbf16>
    %dot_general3A_111 = arith.constant dense<0.000000e+00> : vector<256x1024xf32>
    %dot_general3A_112 = tpu.matmul %convert_element_type3A_103, %get3A_110, %dot_general3A_111 {dimension_numbers = #tpu.dot_dimension_numbers<[1], [1], [0], [0], [0, 0, 1, 0], [], []>, transpose_lhs_hint = false} : vector<256x128xbf16>, vector<1024x128xbf16>, vector<256x1024xf32> -> vector<256x1024xf32>
    %add3A_113 = arith.addf %slice3A, %dot_general3A_112 : vector<256x1024xf32>
    %get3A_114 = arith.constant 2 : index
    %get3A_115 = arith.constant 0 : index
    %get3A_116 = arith.constant 0 : index
    %get3A_117 = vector.load %arg7[%get3A_114, %get3A_115, %get3A_116] : memref<8x1024x128xbf16, #tpu.memory_space<vmem>>, vector<1x1024x128xbf16>
    %get3A_118 = vector.shape_cast %get3A_117 : vector<1x1024x128xbf16> to vector<1024x128xbf16>
    %dot_general3A_119 = arith.constant dense<0.000000e+00> : vector<256x1024xf32>
    %dot_general3A_120 = tpu.matmul %convert_element_type3A_105, %get3A_118, %dot_general3A_119 {dimension_numbers = #tpu.dot_dimension_numbers<[1], [1], [0], [0], [0, 0, 1, 0], [], []>, transpose_lhs_hint = false} : vector<256x128xbf16>, vector<1024x128xbf16>, vector<256x1024xf32> -> vector<256x1024xf32>
    %add3A_121 = arith.addf %slice3A_19, %dot_general3A_120 : vector<256x1024xf32>
    %logistic3A_122 = arith.negf %add3A_113 : vector<256x1024xf32>
    %logistic3A_123 = math.exp %logistic3A_122 : vector<256x1024xf32>
    %logistic3A_124 = arith.constant 1.000000e+00 : f32
    %logistic3A_125 = vector.broadcast %logistic3A_124 : f32 to vector<256x1024xf32>
    %logistic3A_126 = arith.addf %logistic3A_125, %logistic3A_123 : vector<256x1024xf32>
    %logistic3A_127 = arith.divf %logistic3A_125, %logistic3A_126 : vector<256x1024xf32>
    %mul3A_128 = arith.mulf %add3A_113, %logistic3A_127 : vector<256x1024xf32>
    %mul3A_129 = arith.mulf %mul3A_128, %add3A_121 : vector<256x1024xf32>
    %slice3A_130 = vector.extract_strided_slice %get3A_6 {offsets = [0, 2], sizes = [256, 1], strides = [1, 1]} : vector<256x8xf32> to vector<256x1xf32>
    %mul3A_131 = vector.broadcast %slice3A_130 : vector<256x1xf32> to vector<256x1024xf32>
    %mul3A_132 = arith.mulf %mul3A_129, %mul3A_131 : vector<256x1024xf32>
    %add3A_133 = arith.addf %add3A_91, %mul3A_132 : vector<256x1024xf32>
    %convert_element_type3A_134 = arith.truncf %mul3A_129 : vector<256x1024xf32> to vector<256x1024xbf16>
    %get3A_135 = arith.constant 2 : index
    %get3A_136 = arith.constant 0 : index
    %get3A_137 = arith.constant 0 : index
    %get3A_138 = vector.load %arg8[%get3A_135, %get3A_136, %get3A_137] : memref<8x128x1024xbf16, #tpu.memory_space<vmem>>, vector<1x128x1024xbf16>
    %get3A_139 = vector.shape_cast %get3A_138 : vector<1x128x1024xbf16> to vector<128x1024xbf16>
    %dot_general3A_140 = arith.constant dense<0.000000e+00> : vector<256x128xf32>
    %dot_general3A_141 = tpu.matmul %convert_element_type3A_134, %get3A_139, %dot_general3A_140 {dimension_numbers = #tpu.dot_dimension_numbers<[1], [1], [0], [0], [0, 0, 1, 0], [], []>, transpose_lhs_hint = false} : vector<256x1024xbf16>, vector<128x1024xbf16>, vector<256x128xf32> -> vector<256x128xf32>
    %mul3A_142 = vector.broadcast %slice3A_130 : vector<256x1xf32> to vector<256x128xf32>
    %mul3A_143 = arith.mulf %dot_general3A_141, %mul3A_142 : vector<256x128xf32>
    %slice3A_144 = vector.extract_strided_slice %dot_general3A_18 {offsets = [0, 768], sizes = [256, 128], strides = [1, 1]} : vector<256x2048xf32> to vector<256x128xf32>
    %convert_element_type3A_145 = arith.truncf %slice3A_144 : vector<256x128xf32> to vector<256x128xbf16>
    %slice3A_146 = vector.extract_strided_slice %dot_general3A_18 {offsets = [0, 896], sizes = [256, 128], strides = [1, 1]} : vector<256x2048xf32> to vector<256x128xf32>
    %convert_element_type3A_147 = arith.truncf %slice3A_146 : vector<256x128xf32> to vector<256x128xbf16>
    %get3A_148 = arith.constant 3 : index
    %get3A_149 = arith.constant 0 : index
    %get3A_150 = arith.constant 0 : index
    %get3A_151 = vector.load %arg6[%get3A_148, %get3A_149, %get3A_150] : memref<8x1024x128xbf16, #tpu.memory_space<vmem>>, vector<1x1024x128xbf16>
    %get3A_152 = vector.shape_cast %get3A_151 : vector<1x1024x128xbf16> to vector<1024x128xbf16>
    %dot_general3A_153 = arith.constant dense<0.000000e+00> : vector<256x1024xf32>
    %dot_general3A_154 = tpu.matmul %convert_element_type3A_145, %get3A_152, %dot_general3A_153 {dimension_numbers = #tpu.dot_dimension_numbers<[1], [1], [0], [0], [0, 0, 1, 0], [], []>, transpose_lhs_hint = false} : vector<256x128xbf16>, vector<1024x128xbf16>, vector<256x1024xf32> -> vector<256x1024xf32>
    %add3A_155 = arith.addf %slice3A, %dot_general3A_154 : vector<256x1024xf32>
    %get3A_156 = arith.constant 3 : index
    %get3A_157 = arith.constant 0 : index
    %get3A_158 = arith.constant 0 : index
    %get3A_159 = vector.load %arg7[%get3A_156, %get3A_157, %get3A_158] : memref<8x1024x128xbf16, #tpu.memory_space<vmem>>, vector<1x1024x128xbf16>
    %get3A_160 = vector.shape_cast %get3A_159 : vector<1x1024x128xbf16> to vector<1024x128xbf16>
    %dot_general3A_161 = arith.constant dense<0.000000e+00> : vector<256x1024xf32>
    %dot_general3A_162 = tpu.matmul %convert_element_type3A_147, %get3A_160, %dot_general3A_161 {dimension_numbers = #tpu.dot_dimension_numbers<[1], [1], [0], [0], [0, 0, 1, 0], [], []>, transpose_lhs_hint = false} : vector<256x128xbf16>, vector<1024x128xbf16>, vector<256x1024xf32> -> vector<256x1024xf32>
    %add3A_163 = arith.addf %slice3A_19, %dot_general3A_162 : vector<256x1024xf32>
    %logistic3A_164 = arith.negf %add3A_155 : vector<256x1024xf32>
    %logistic3A_165 = math.exp %logistic3A_164 : vector<256x1024xf32>
    %logistic3A_166 = arith.constant 1.000000e+00 : f32
    %logistic3A_167 = vector.broadcast %logistic3A_166 : f32 to vector<256x1024xf32>
    %logistic3A_168 = arith.addf %logistic3A_167, %logistic3A_165 : vector<256x1024xf32>
    %logistic3A_169 = arith.divf %logistic3A_167, %logistic3A_168 : vector<256x1024xf32>
    %mul3A_170 = arith.mulf %add3A_155, %logistic3A_169 : vector<256x1024xf32>
    %mul3A_171 = arith.mulf %mul3A_170, %add3A_163 : vector<256x1024xf32>
    %slice3A_172 = vector.extract_strided_slice %get3A_6 {offsets = [0, 3], sizes = [256, 1], strides = [1, 1]} : vector<256x8xf32> to vector<256x1xf32>
    %mul3A_173 = vector.broadcast %slice3A_172 : vector<256x1xf32> to vector<256x1024xf32>
    %mul3A_174 = arith.mulf %mul3A_171, %mul3A_173 : vector<256x1024xf32>
    %add3A_175 = arith.addf %add3A_133, %mul3A_174 : vector<256x1024xf32>
    %convert_element_type3A_176 = arith.truncf %mul3A_171 : vector<256x1024xf32> to vector<256x1024xbf16>
    %get3A_177 = arith.constant 3 : index
    %get3A_178 = arith.constant 0 : index
    %get3A_179 = arith.constant 0 : index
    %get3A_180 = vector.load %arg8[%get3A_177, %get3A_178, %get3A_179] : memref<8x128x1024xbf16, #tpu.memory_space<vmem>>, vector<1x128x1024xbf16>
    %get3A_181 = vector.shape_cast %get3A_180 : vector<1x128x1024xbf16> to vector<128x1024xbf16>
    %dot_general3A_182 = arith.constant dense<0.000000e+00> : vector<256x128xf32>
    %dot_general3A_183 = tpu.matmul %convert_element_type3A_176, %get3A_181, %dot_general3A_182 {dimension_numbers = #tpu.dot_dimension_numbers<[1], [1], [0], [0], [0, 0, 1, 0], [], []>, transpose_lhs_hint = false} : vector<256x1024xbf16>, vector<128x1024xbf16>, vector<256x128xf32> -> vector<256x128xf32>
    %mul3A_184 = vector.broadcast %slice3A_172 : vector<256x1xf32> to vector<256x128xf32>
    %mul3A_185 = arith.mulf %dot_general3A_183, %mul3A_184 : vector<256x128xf32>
    %slice3A_186 = vector.extract_strided_slice %dot_general3A_18 {offsets = [0, 1024], sizes = [256, 128], strides = [1, 1]} : vector<256x2048xf32> to vector<256x128xf32>
    %convert_element_type3A_187 = arith.truncf %slice3A_186 : vector<256x128xf32> to vector<256x128xbf16>
    %slice3A_188 = vector.extract_strided_slice %dot_general3A_18 {offsets = [0, 1152], sizes = [256, 128], strides = [1, 1]} : vector<256x2048xf32> to vector<256x128xf32>
    %convert_element_type3A_189 = arith.truncf %slice3A_188 : vector<256x128xf32> to vector<256x128xbf16>
    %get3A_190 = arith.constant 4 : index
    %get3A_191 = arith.constant 0 : index
    %get3A_192 = arith.constant 0 : index
    %get3A_193 = vector.load %arg6[%get3A_190, %get3A_191, %get3A_192] : memref<8x1024x128xbf16, #tpu.memory_space<vmem>>, vector<1x1024x128xbf16>
    %get3A_194 = vector.shape_cast %get3A_193 : vector<1x1024x128xbf16> to vector<1024x128xbf16>
    %dot_general3A_195 = arith.constant dense<0.000000e+00> : vector<256x1024xf32>
    %dot_general3A_196 = tpu.matmul %convert_element_type3A_187, %get3A_194, %dot_general3A_195 {dimension_numbers = #tpu.dot_dimension_numbers<[1], [1], [0], [0], [0, 0, 1, 0], [], []>, transpose_lhs_hint = false} : vector<256x128xbf16>, vector<1024x128xbf16>, vector<256x1024xf32> -> vector<256x1024xf32>
    %add3A_197 = arith.addf %slice3A, %dot_general3A_196 : vector<256x1024xf32>
    %get3A_198 = arith.constant 4 : index
    %get3A_199 = arith.constant 0 : index
    %get3A_200 = arith.constant 0 : index
    %get3A_201 = vector.load %arg7[%get3A_198, %get3A_199, %get3A_200] : memref<8x1024x128xbf16, #tpu.memory_space<vmem>>, vector<1x1024x128xbf16>
    %get3A_202 = vector.shape_cast %get3A_201 : vector<1x1024x128xbf16> to vector<1024x128xbf16>
    %dot_general3A_203 = arith.constant dense<0.000000e+00> : vector<256x1024xf32>
    %dot_general3A_204 = tpu.matmul %convert_element_type3A_189, %get3A_202, %dot_general3A_203 {dimension_numbers = #tpu.dot_dimension_numbers<[1], [1], [0], [0], [0, 0, 1, 0], [], []>, transpose_lhs_hint = false} : vector<256x128xbf16>, vector<1024x128xbf16>, vector<256x1024xf32> -> vector<256x1024xf32>
    %add3A_205 = arith.addf %slice3A_19, %dot_general3A_204 : vector<256x1024xf32>
    %logistic3A_206 = arith.negf %add3A_197 : vector<256x1024xf32>
    %logistic3A_207 = math.exp %logistic3A_206 : vector<256x1024xf32>
    %logistic3A_208 = arith.constant 1.000000e+00 : f32
    %logistic3A_209 = vector.broadcast %logistic3A_208 : f32 to vector<256x1024xf32>
    %logistic3A_210 = arith.addf %logistic3A_209, %logistic3A_207 : vector<256x1024xf32>
    %logistic3A_211 = arith.divf %logistic3A_209, %logistic3A_210 : vector<256x1024xf32>
    %mul3A_212 = arith.mulf %add3A_197, %logistic3A_211 : vector<256x1024xf32>
    %mul3A_213 = arith.mulf %mul3A_212, %add3A_205 : vector<256x1024xf32>
    %slice3A_214 = vector.extract_strided_slice %get3A_6 {offsets = [0, 4], sizes = [256, 1], strides = [1, 1]} : vector<256x8xf32> to vector<256x1xf32>
    %mul3A_215 = vector.broadcast %slice3A_214 : vector<256x1xf32> to vector<256x1024xf32>
    %mul3A_216 = arith.mulf %mul3A_213, %mul3A_215 : vector<256x1024xf32>
    %add3A_217 = arith.addf %add3A_175, %mul3A_216 : vector<256x1024xf32>
    %convert_element_type3A_218 = arith.truncf %mul3A_213 : vector<256x1024xf32> to vector<256x1024xbf16>
    %get3A_219 = arith.constant 4 : index
    %get3A_220 = arith.constant 0 : index
    %get3A_221 = arith.constant 0 : index
    %get3A_222 = vector.load %arg8[%get3A_219, %get3A_220, %get3A_221] : memref<8x128x1024xbf16, #tpu.memory_space<vmem>>, vector<1x128x1024xbf16>
    %get3A_223 = vector.shape_cast %get3A_222 : vector<1x128x1024xbf16> to vector<128x1024xbf16>
    %dot_general3A_224 = arith.constant dense<0.000000e+00> : vector<256x128xf32>
    %dot_general3A_225 = tpu.matmul %convert_element_type3A_218, %get3A_223, %dot_general3A_224 {dimension_numbers = #tpu.dot_dimension_numbers<[1], [1], [0], [0], [0, 0, 1, 0], [], []>, transpose_lhs_hint = false} : vector<256x1024xbf16>, vector<128x1024xbf16>, vector<256x128xf32> -> vector<256x128xf32>
    %mul3A_226 = vector.broadcast %slice3A_214 : vector<256x1xf32> to vector<256x128xf32>
    %mul3A_227 = arith.mulf %dot_general3A_225, %mul3A_226 : vector<256x128xf32>
    %slice3A_228 = vector.extract_strided_slice %dot_general3A_18 {offsets = [0, 1280], sizes = [256, 128], strides = [1, 1]} : vector<256x2048xf32> to vector<256x128xf32>
    %convert_element_type3A_229 = arith.truncf %slice3A_228 : vector<256x128xf32> to vector<256x128xbf16>
    %slice3A_230 = vector.extract_strided_slice %dot_general3A_18 {offsets = [0, 1408], sizes = [256, 128], strides = [1, 1]} : vector<256x2048xf32> to vector<256x128xf32>
    %convert_element_type3A_231 = arith.truncf %slice3A_230 : vector<256x128xf32> to vector<256x128xbf16>
    %get3A_232 = arith.constant 5 : index
    %get3A_233 = arith.constant 0 : index
    %get3A_234 = arith.constant 0 : index
    %get3A_235 = vector.load %arg6[%get3A_232, %get3A_233, %get3A_234] : memref<8x1024x128xbf16, #tpu.memory_space<vmem>>, vector<1x1024x128xbf16>
    %get3A_236 = vector.shape_cast %get3A_235 : vector<1x1024x128xbf16> to vector<1024x128xbf16>
    %dot_general3A_237 = arith.constant dense<0.000000e+00> : vector<256x1024xf32>
    %dot_general3A_238 = tpu.matmul %convert_element_type3A_229, %get3A_236, %dot_general3A_237 {dimension_numbers = #tpu.dot_dimension_numbers<[1], [1], [0], [0], [0, 0, 1, 0], [], []>, transpose_lhs_hint = false} : vector<256x128xbf16>, vector<1024x128xbf16>, vector<256x1024xf32> -> vector<256x1024xf32>
    %add3A_239 = arith.addf %slice3A, %dot_general3A_238 : vector<256x1024xf32>
    %get3A_240 = arith.constant 5 : index
    %get3A_241 = arith.constant 0 : index
    %get3A_242 = arith.constant 0 : index
    %get3A_243 = vector.load %arg7[%get3A_240, %get3A_241, %get3A_242] : memref<8x1024x128xbf16, #tpu.memory_space<vmem>>, vector<1x1024x128xbf16>
    %get3A_244 = vector.shape_cast %get3A_243 : vector<1x1024x128xbf16> to vector<1024x128xbf16>
    %dot_general3A_245 = arith.constant dense<0.000000e+00> : vector<256x1024xf32>
    %dot_general3A_246 = tpu.matmul %convert_element_type3A_231, %get3A_244, %dot_general3A_245 {dimension_numbers = #tpu.dot_dimension_numbers<[1], [1], [0], [0], [0, 0, 1, 0], [], []>, transpose_lhs_hint = false} : vector<256x128xbf16>, vector<1024x128xbf16>, vector<256x1024xf32> -> vector<256x1024xf32>
    %add3A_247 = arith.addf %slice3A_19, %dot_general3A_246 : vector<256x1024xf32>
    %logistic3A_248 = arith.negf %add3A_239 : vector<256x1024xf32>
    %logistic3A_249 = math.exp %logistic3A_248 : vector<256x1024xf32>
    %logistic3A_250 = arith.constant 1.000000e+00 : f32
    %logistic3A_251 = vector.broadcast %logistic3A_250 : f32 to vector<256x1024xf32>
    %logistic3A_252 = arith.addf %logistic3A_251, %logistic3A_249 : vector<256x1024xf32>
    %logistic3A_253 = arith.divf %logistic3A_251, %logistic3A_252 : vector<256x1024xf32>
    %mul3A_254 = arith.mulf %add3A_239, %logistic3A_253 : vector<256x1024xf32>
    %mul3A_255 = arith.mulf %mul3A_254, %add3A_247 : vector<256x1024xf32>
    %slice3A_256 = vector.extract_strided_slice %get3A_6 {offsets = [0, 5], sizes = [256, 1], strides = [1, 1]} : vector<256x8xf32> to vector<256x1xf32>
    %mul3A_257 = vector.broadcast %slice3A_256 : vector<256x1xf32> to vector<256x1024xf32>
    %mul3A_258 = arith.mulf %mul3A_255, %mul3A_257 : vector<256x1024xf32>
    %add3A_259 = arith.addf %add3A_217, %mul3A_258 : vector<256x1024xf32>
    %convert_element_type3A_260 = arith.truncf %mul3A_255 : vector<256x1024xf32> to vector<256x1024xbf16>
    %get3A_261 = arith.constant 5 : index
    %get3A_262 = arith.constant 0 : index
    %get3A_263 = arith.constant 0 : index
    %get3A_264 = vector.load %arg8[%get3A_261, %get3A_262, %get3A_263] : memref<8x128x1024xbf16, #tpu.memory_space<vmem>>, vector<1x128x1024xbf16>
    %get3A_265 = vector.shape_cast %get3A_264 : vector<1x128x1024xbf16> to vector<128x1024xbf16>
    %dot_general3A_266 = arith.constant dense<0.000000e+00> : vector<256x128xf32>
    %dot_general3A_267 = tpu.matmul %convert_element_type3A_260, %get3A_265, %dot_general3A_266 {dimension_numbers = #tpu.dot_dimension_numbers<[1], [1], [0], [0], [0, 0, 1, 0], [], []>, transpose_lhs_hint = false} : vector<256x1024xbf16>, vector<128x1024xbf16>, vector<256x128xf32> -> vector<256x128xf32>
    %mul3A_268 = vector.broadcast %slice3A_256 : vector<256x1xf32> to vector<256x128xf32>
    %mul3A_269 = arith.mulf %dot_general3A_267, %mul3A_268 : vector<256x128xf32>
    %slice3A_270 = vector.extract_strided_slice %dot_general3A_18 {offsets = [0, 1536], sizes = [256, 128], strides = [1, 1]} : vector<256x2048xf32> to vector<256x128xf32>
    %convert_element_type3A_271 = arith.truncf %slice3A_270 : vector<256x128xf32> to vector<256x128xbf16>
    %slice3A_272 = vector.extract_strided_slice %dot_general3A_18 {offsets = [0, 1664], sizes = [256, 128], strides = [1, 1]} : vector<256x2048xf32> to vector<256x128xf32>
    %convert_element_type3A_273 = arith.truncf %slice3A_272 : vector<256x128xf32> to vector<256x128xbf16>
    %get3A_274 = arith.constant 6 : index
    %get3A_275 = arith.constant 0 : index
    %get3A_276 = arith.constant 0 : index
    %get3A_277 = vector.load %arg6[%get3A_274, %get3A_275, %get3A_276] : memref<8x1024x128xbf16, #tpu.memory_space<vmem>>, vector<1x1024x128xbf16>
    %get3A_278 = vector.shape_cast %get3A_277 : vector<1x1024x128xbf16> to vector<1024x128xbf16>
    %dot_general3A_279 = arith.constant dense<0.000000e+00> : vector<256x1024xf32>
    %dot_general3A_280 = tpu.matmul %convert_element_type3A_271, %get3A_278, %dot_general3A_279 {dimension_numbers = #tpu.dot_dimension_numbers<[1], [1], [0], [0], [0, 0, 1, 0], [], []>, transpose_lhs_hint = false} : vector<256x128xbf16>, vector<1024x128xbf16>, vector<256x1024xf32> -> vector<256x1024xf32>
    %add3A_281 = arith.addf %slice3A, %dot_general3A_280 : vector<256x1024xf32>
    %get3A_282 = arith.constant 6 : index
    %get3A_283 = arith.constant 0 : index
    %get3A_284 = arith.constant 0 : index
    %get3A_285 = vector.load %arg7[%get3A_282, %get3A_283, %get3A_284] : memref<8x1024x128xbf16, #tpu.memory_space<vmem>>, vector<1x1024x128xbf16>
    %get3A_286 = vector.shape_cast %get3A_285 : vector<1x1024x128xbf16> to vector<1024x128xbf16>
    %dot_general3A_287 = arith.constant dense<0.000000e+00> : vector<256x1024xf32>
    %dot_general3A_288 = tpu.matmul %convert_element_type3A_273, %get3A_286, %dot_general3A_287 {dimension_numbers = #tpu.dot_dimension_numbers<[1], [1], [0], [0], [0, 0, 1, 0], [], []>, transpose_lhs_hint = false} : vector<256x128xbf16>, vector<1024x128xbf16>, vector<256x1024xf32> -> vector<256x1024xf32>
    %add3A_289 = arith.addf %slice3A_19, %dot_general3A_288 : vector<256x1024xf32>
    %logistic3A_290 = arith.negf %add3A_281 : vector<256x1024xf32>
    %logistic3A_291 = math.exp %logistic3A_290 : vector<256x1024xf32>
    %logistic3A_292 = arith.constant 1.000000e+00 : f32
    %logistic3A_293 = vector.broadcast %logistic3A_292 : f32 to vector<256x1024xf32>
    %logistic3A_294 = arith.addf %logistic3A_293, %logistic3A_291 : vector<256x1024xf32>
    %logistic3A_295 = arith.divf %logistic3A_293, %logistic3A_294 : vector<256x1024xf32>
    %mul3A_296 = arith.mulf %add3A_281, %logistic3A_295 : vector<256x1024xf32>
    %mul3A_297 = arith.mulf %mul3A_296, %add3A_289 : vector<256x1024xf32>
    %slice3A_298 = vector.extract_strided_slice %get3A_6 {offsets = [0, 6], sizes = [256, 1], strides = [1, 1]} : vector<256x8xf32> to vector<256x1xf32>
    %mul3A_299 = vector.broadcast %slice3A_298 : vector<256x1xf32> to vector<256x1024xf32>
    %mul3A_300 = arith.mulf %mul3A_297, %mul3A_299 : vector<256x1024xf32>
    %add3A_301 = arith.addf %add3A_259, %mul3A_300 : vector<256x1024xf32>
    %convert_element_type3A_302 = arith.truncf %mul3A_297 : vector<256x1024xf32> to vector<256x1024xbf16>
    %get3A_303 = arith.constant 6 : index
    %get3A_304 = arith.constant 0 : index
    %get3A_305 = arith.constant 0 : index
    %get3A_306 = vector.load %arg8[%get3A_303, %get3A_304, %get3A_305] : memref<8x128x1024xbf16, #tpu.memory_space<vmem>>, vector<1x128x1024xbf16>
    %get3A_307 = vector.shape_cast %get3A_306 : vector<1x128x1024xbf16> to vector<128x1024xbf16>
    %dot_general3A_308 = arith.constant dense<0.000000e+00> : vector<256x128xf32>
    %dot_general3A_309 = tpu.matmul %convert_element_type3A_302, %get3A_307, %dot_general3A_308 {dimension_numbers = #tpu.dot_dimension_numbers<[1], [1], [0], [0], [0, 0, 1, 0], [], []>, transpose_lhs_hint = false} : vector<256x1024xbf16>, vector<128x1024xbf16>, vector<256x128xf32> -> vector<256x128xf32>
    %mul3A_310 = vector.broadcast %slice3A_298 : vector<256x1xf32> to vector<256x128xf32>
    %mul3A_311 = arith.mulf %dot_general3A_309, %mul3A_310 : vector<256x128xf32>
    %slice3A_312 = vector.extract_strided_slice %dot_general3A_18 {offsets = [0, 1792], sizes = [256, 128], strides = [1, 1]} : vector<256x2048xf32> to vector<256x128xf32>
    %convert_element_type3A_313 = arith.truncf %slice3A_312 : vector<256x128xf32> to vector<256x128xbf16>
    %slice3A_314 = vector.extract_strided_slice %dot_general3A_18 {offsets = [0, 1920], sizes = [256, 128], strides = [1, 1]} : vector<256x2048xf32> to vector<256x128xf32>
    %convert_element_type3A_315 = arith.truncf %slice3A_314 : vector<256x128xf32> to vector<256x128xbf16>
    %get3A_316 = arith.constant 7 : index
    %get3A_317 = arith.constant 0 : index
    %get3A_318 = arith.constant 0 : index
    %get3A_319 = vector.load %arg6[%get3A_316, %get3A_317, %get3A_318] : memref<8x1024x128xbf16, #tpu.memory_space<vmem>>, vector<1x1024x128xbf16>
    %get3A_320 = vector.shape_cast %get3A_319 : vector<1x1024x128xbf16> to vector<1024x128xbf16>
    %dot_general3A_321 = arith.constant dense<0.000000e+00> : vector<256x1024xf32>
    %dot_general3A_322 = tpu.matmul %convert_element_type3A_313, %get3A_320, %dot_general3A_321 {dimension_numbers = #tpu.dot_dimension_numbers<[1], [1], [0], [0], [0, 0, 1, 0], [], []>, transpose_lhs_hint = false} : vector<256x128xbf16>, vector<1024x128xbf16>, vector<256x1024xf32> -> vector<256x1024xf32>
    %add3A_323 = arith.addf %slice3A, %dot_general3A_322 : vector<256x1024xf32>
    %get3A_324 = arith.constant 7 : index
    %get3A_325 = arith.constant 0 : index
    %get3A_326 = arith.constant 0 : index
    %get3A_327 = vector.load %arg7[%get3A_324, %get3A_325, %get3A_326] : memref<8x1024x128xbf16, #tpu.memory_space<vmem>>, vector<1x1024x128xbf16>
    %get3A_328 = vector.shape_cast %get3A_327 : vector<1x1024x128xbf16> to vector<1024x128xbf16>
    %dot_general3A_329 = arith.constant dense<0.000000e+00> : vector<256x1024xf32>
    %dot_general3A_330 = tpu.matmul %convert_element_type3A_315, %get3A_328, %dot_general3A_329 {dimension_numbers = #tpu.dot_dimension_numbers<[1], [1], [0], [0], [0, 0, 1, 0], [], []>, transpose_lhs_hint = false} : vector<256x128xbf16>, vector<1024x128xbf16>, vector<256x1024xf32> -> vector<256x1024xf32>
    %add3A_331 = arith.addf %slice3A_19, %dot_general3A_330 : vector<256x1024xf32>
    %logistic3A_332 = arith.negf %add3A_323 : vector<256x1024xf32>
    %logistic3A_333 = math.exp %logistic3A_332 : vector<256x1024xf32>
    %logistic3A_334 = arith.constant 1.000000e+00 : f32
    %logistic3A_335 = vector.broadcast %logistic3A_334 : f32 to vector<256x1024xf32>
    %logistic3A_336 = arith.addf %logistic3A_335, %logistic3A_333 : vector<256x1024xf32>
    %logistic3A_337 = arith.divf %logistic3A_335, %logistic3A_336 : vector<256x1024xf32>
    %mul3A_338 = arith.mulf %add3A_323, %logistic3A_337 : vector<256x1024xf32>
    %mul3A_339 = arith.mulf %mul3A_338, %add3A_331 : vector<256x1024xf32>
    %slice3A_340 = vector.extract_strided_slice %get3A_6 {offsets = [0, 7], sizes = [256, 1], strides = [1, 1]} : vector<256x8xf32> to vector<256x1xf32>
    %mul3A_341 = vector.broadcast %slice3A_340 : vector<256x1xf32> to vector<256x1024xf32>
    %mul3A_342 = arith.mulf %mul3A_339, %mul3A_341 : vector<256x1024xf32>
    %add3A_343 = arith.addf %add3A_301, %mul3A_342 : vector<256x1024xf32>
    %convert_element_type3A_344 = arith.truncf %mul3A_339 : vector<256x1024xf32> to vector<256x1024xbf16>
    %get3A_345 = arith.constant 7 : index
    %get3A_346 = arith.constant 0 : index
    %get3A_347 = arith.constant 0 : index
    %get3A_348 = vector.load %arg8[%get3A_345, %get3A_346, %get3A_347] : memref<8x128x1024xbf16, #tpu.memory_space<vmem>>, vector<1x128x1024xbf16>
    %get3A_349 = vector.shape_cast %get3A_348 : vector<1x128x1024xbf16> to vector<128x1024xbf16>
    %dot_general3A_350 = arith.constant dense<0.000000e+00> : vector<256x128xf32>
    %dot_general3A_351 = tpu.matmul %convert_element_type3A_344, %get3A_349, %dot_general3A_350 {dimension_numbers = #tpu.dot_dimension_numbers<[1], [1], [0], [0], [0, 0, 1, 0], [], []>, transpose_lhs_hint = false} : vector<256x1024xbf16>, vector<128x1024xbf16>, vector<256x128xf32> -> vector<256x128xf32>
    %mul3A_352 = vector.broadcast %slice3A_340 : vector<256x1xf32> to vector<256x128xf32>
    %mul3A_353 = arith.mulf %dot_general3A_351, %mul3A_352 : vector<256x128xf32>
    %concatenate3A = tpu.concatenate %mul3A_59, %mul3A_101, %mul3A_143, %mul3A_185, %mul3A_227, %mul3A_269, %mul3A_311, %mul3A_353 in 1 : vector<256x128xf32>, vector<256x128xf32>, vector<256x128xf32>, vector<256x128xf32>, vector<256x128xf32>, vector<256x128xf32>, vector<256x128xf32>, vector<256x128xf32> -> vector<256x1024xf32>
    %convert_element_type3A_354 = arith.truncf %concatenate3A : vector<256x1024xf32> to vector<256x1024xbf16>
    %convert_element_type3A_355 = arith.truncf %add3A_343 : vector<256x1024xf32> to vector<256x1024xbf16>
    %get3A_356 = arith.constant 0 : index
    %get3A_357 = arith.constant 0 : index
    %get3A_358 = vector.load %arg9[%get3A_356, %get3A_357] : memref<2048x1024xbf16, #tpu.memory_space<vmem>>, vector<2048x1024xbf16>
    %dot_general3A_359 = arith.constant dense<0.000000e+00> : vector<256x2048xf32>
    %dot_general3A_360 = tpu.matmul %convert_element_type3A_355, %get3A_358, %dot_general3A_359 {dimension_numbers = #tpu.dot_dimension_numbers<[1], [1], [0], [0], [0, 0, 1, 0], [], []>, transpose_lhs_hint = false} : vector<256x1024xbf16>, vector<2048x1024xbf16>, vector<256x2048xf32> -> vector<256x2048xf32>
    %get3A_361 = arith.constant 0 : index
    %get3A_362 = arith.constant 0 : index
    %get3A_363 = vector.load %arg10[%get3A_361, %get3A_362] : memref<2048x1024xbf16, #tpu.memory_space<vmem>>, vector<2048x1024xbf16>
    %dot_general3A_364 = arith.constant dense<0.000000e+00> : vector<256x2048xf32>
    %dot_general3A_365 = tpu.matmul %convert_element_type3A_354, %get3A_363, %dot_general3A_364 {dimension_numbers = #tpu.dot_dimension_numbers<[1], [1], [0], [0], [0, 0, 1, 0], [], []>, transpose_lhs_hint = false} : vector<256x1024xbf16>, vector<2048x1024xbf16>, vector<256x2048xf32> -> vector<256x2048xf32>
    %add3A_366 = arith.addf %dot_general3A_360, %dot_general3A_365 : vector<256x2048xf32>
    %swap3A_367 = arith.constant 0 : index
    %swap3A_368 = arith.constant 0 : index
    %swap3A_369 = vector.load %arg11[%swap3A_367, %swap3A_368] : memref<256x2048xf32, #tpu.memory_space<vmem>>, vector<256x2048xf32>
    tpu.vector_store %arg11[%swap3A_367, %swap3A_368], %add3A_366 {strides = array<i32>} : memref<256x2048xf32, #tpu.memory_space<vmem>>, vector<256x2048xf32>,
    return
  }
  func.func @transform_0(%arg0: i32) -> (i32, i32) {
    %c0_i32 = arith.constant 0 : i32
    %c0_i32_0 = arith.constant 0 : i32
    return %arg0, %c0_i32 : i32, i32
  }
  func.func @transform_1(%arg0: i32) -> (i32, i32) {
    %c0_i32 = arith.constant 0 : i32
    %c0_i32_0 = arith.constant 0 : i32
    return %arg0, %c0_i32 : i32, i32
  }
  func.func @transform_2(%arg0: i32) -> (i32, i32) {
    %c0_i32 = arith.constant 0 : i32
    %c0_i32_0 = arith.constant 0 : i32
    return %arg0, %c0_i32 : i32, i32
  }
  func.func @transform_3(%arg0: i32) -> (i32, i32) {
    %c0_i32 = arith.constant 0 : i32
    %c0_i32_0 = arith.constant 0 : i32
    %c0_i32_1 = arith.constant 0 : i32
    return %c0_i32, %c0_i32_0 : i32, i32
  }
  func.func @transform_4(%arg0: i32) -> (i32, i32) {
    %c0_i32 = arith.constant 0 : i32
    %c0_i32_0 = arith.constant 0 : i32
    %c0_i32_1 = arith.constant 0 : i32
    return %c0_i32, %c0_i32_0 : i32, i32
  }
  func.func @transform_5(%arg0: i32) -> (i32, i32, i32) {
    %c0_i32 = arith.constant 0 : i32
    %c0_i32_0 = arith.constant 0 : i32
    %c0_i32_1 = arith.constant 0 : i32
    %c0_i32_2 = arith.constant 0 : i32
    return %c0_i32, %c0_i32_0, %c0_i32_1 : i32, i32, i32
  }
  func.func @transform_6(%arg0: i32) -> (i32, i32, i32) {
    %c0_i32 = arith.constant 0 : i32
    %c0_i32_0 = arith.constant 0 : i32
    %c0_i32_1 = arith.constant 0 : i32
    %c0_i32_2 = arith.constant 0 : i32
    return %c0_i32, %c0_i32_0, %c0_i32_1 : i32, i32, i32
  }
  func.func @transform_7(%arg0: i32) -> (i32, i32, i32) {
    %c0_i32 = arith.constant 0 : i32
    %c0_i32_0 = arith.constant 0 : i32
    %c0_i32_1 = arith.constant 0 : i32
    %c0_i32_2 = arith.constant 0 : i32
    return %c0_i32, %c0_i32_0, %c0_i32_1 : i32, i32, i32
  }
  func.func @transform_8(%arg0: i32) -> (i32, i32) {
    %c0_i32 = arith.constant 0 : i32
    %c0_i32_0 = arith.constant 0 : i32
    %c0_i32_1 = arith.constant 0 : i32
    return %c0_i32, %c0_i32_0 : i32, i32
  }
  func.func @transform_9(%arg0: i32) -> (i32, i32) {
    %c0_i32 = arith.constant 0 : i32
    %c0_i32_0 = arith.constant 0 : i32
    %c0_i32_1 = arith.constant 0 : i32
    return %c0_i32, %c0_i32_0 : i32, i32
  }
  func.func @transform_10(%arg0: i32) -> (i32, i32) {
    %c0_i32 = arith.constant 0 : i32
    %c0_i32_0 = arith.constant 0 : i32
    return %arg0, %c0_i32 : i32, i32
  }
  func.func @transform_11(%arg0: i32) -> (i32, i32) {
    %c0_i32 = arith.constant 0 : i32
    %c0_i32_0 = arith.constant 0 : i32
    return %arg0, %c0_i32 : i32, i32
  }
}

</mosaic_0001>

<sc_bundles>
// kernel: kernel.4.cloned.1.call-start
scs
__scs_entry_jumppad:
0x0: {  	(pc) =	sbr.rel $0x88, $3  }
0x1: {  	(tag) =	ssettag $0x0;
	lr =	simm.s32 $0x1  }
0x2: {  	[smem:$0x3F96] =	sst lr;
	_ =	strace $0xD0000000  }
0x3: {  	_ = 	snop  }
0x4: {  	_ = 	snop  }
0x5: {  	_ = 	snop  }
0x6: {  	_ = 	snop  }
0x7: {  	_ = 	snop  }
__scs_overlays_trampoline_lowered:
0x8: {  	[smem:$0x3FA5] =	sst s0  }
0x9: {  	[smem:$0x3FA6] =	sst s1  }
0xa: {  	[smem:$0x3FA7] =	sst s2  }
0xb: {  	[smem:$0x3FA8] =	sst s3  }
0xc: {  	[smem:$0x3FA9] =	sst s4  }
0xd: {  	[smem:$0x3FAA] =	sst s5  }
0xe: {  	[smem:$0x3FAB] =	sst s6  }
0xf: {  	[smem:$0x3FAC] =	sst s7  }
0x10: {  	[smem:$0x3FAD] =	sst s8  }
0x11: {  	[smem:$0x3FAE] =	sst s9;
	s0 =	simm.s32 @!p0 $0x0  }
0x12: {  	s1 =	sld [smem:$0x3F94];
	s0 =	simm.s32 @p0 $0x1  }
0x13: {  	[smem:$0x3FAF] =	sst s0;
	s0 =	simm.s32 @!p1 $0x0  }
0x14: {  	s2 =	sld [smem:$0x3F93];
	s0 =	simm.s32 @p1 $0x1  }
0x15: {  	[smem:$0x3FB0] =	sst s0;
	s0 =	simm.s32 @!p2 $0x0  }
0x16: {  	s3 =	sld [smem:$0x3FDB];
	s0 =	simm.s32 @p2 $0x1  }
0x17: {  	s4 =	simm.s32 $0x1BF5;
	[smem:$0x3FB2] =	sst s0  }
0x18: {  	s0 =	sld [smem:$0x3F95];
	_ =	swait.ge [sflag:s4], $0x0  }
0x19: {  	s7 =	sld [smem:$0x3F96]  }
0x1a: {  	s8 =	sadd.s32 $0xFFFFE003, lr  }
0x1b: {  	s9 =	sadd.s32 $0xFFFFFEF7, lr;
	s5 =	simm.s32 $0xFFFFFFFF;
	p2 =	slt.u32 s8, $0xFFFFF086  }
0x1c: {  	p1 =	slt.u32 s9, $0xF7A;
	s5 =	simm.s32 @!p2 $0x0  }
0x1d: {  	s5 =	simm.s32 @p1 $0x1;
	p0 =	seq.s32 s7, s2  }
0x1e: {  	s7 =	smul.u32 @!p0 $0xF7A, s2;
	p2 =	seq.s32 @!p0 s5, $0x0  }
0x1f: {  	s9 =	smul.u32 $0xF7A, s1;
	s8 =	simm.s32 @!p0 $0x1BF5;
	p2 =	por !p2, p0  }
0x20: {  	[sflag:s8] =	ssyncset.s32 @!p0 $0xFFFFF086;
	s6 =	sadd.s32 @!p0 s3, s7;
	s7 =	simm.s32 @!p0 $0x108  }
0x21: {  	s3 =	sadd.s32 s3, s9;
	s6 =	sadd.s32 @!p0 $0x88, s6;
	s7 =	simm.s32 @p2 $0x1082  }
0x22: {  	[simem:s7], [sflag:s8] =	dma.local @!p0 [hbm:s6], $0xF7A  }
0x23: {  	s9 =	sor.u32 $0xD0000000, s2;
	s6 =	simm.s32 $0x108;
	_ =	swait.ge @!p0 [sflag:s8], $0x0  }
0x24: {  	s3 =	sadd.s32 $0x88, s3;
	s6 =	simm.s32 @!p1 $0x1082;
	[sflag:s4] =	ssyncset.s32 $0xFFFFF086  }
0x25: {  	[simem:s6], [sflag:s4] =	dma.local [hbm:s3], $0xF7A  }
0x26: {  	[smem:$0x3F96] =	sst s1;
	(tag) =	ssettag s2;
	_ =	strace s9  }
0x27: {  	s1 =	sld [smem:$0x3FA6]  }
0x28: {  	s2 =	sld [smem:$0x3FA7]  }
0x29: {  	s4 =	sld [smem:$0x3FA9]  }
0x2a: {  	p0 =	seq.s32 s5, $0x0;
	s5 =	sld [smem:$0x3FAA]  }
0x2b: {  	s6 =	sld [smem:$0x3FAB]  }
0x2c: {  	s7 =	sld [smem:$0x3FAC]  }
0x2d: {  	s3 =	simm.s32 $0x108;
	s8 =	sld [smem:$0x3FAD]  }
0x2e: {  	s3 =	simm.s32 @!p0 $0x1082;
	s9 =	sld [smem:$0x3FAE]  }
0x2f: {  	lr =	sadd.s32 s0, s3;
	s0 =	sld [smem:$0x3FA5]  }
0x30: {  	s3 =	sld [smem:$0x3FA8]  }
0x31: {  	[smem:$0x3FB1] =	sst s10  }
0x32: {  	s10 =	sld [smem:$0x3FAF];
	_ =	sdelay $0x3  }
0x33: {  	p0 =	seq.s32 s10, $0x1;
	s10 =	sld [smem:$0x3FB1];
	_ =	sdelay $0x3  }
0x34: {  	[smem:$0x3FB1] =	sst s10  }
0x35: {  	s10 =	sld [smem:$0x3FB0];
	_ =	sdelay $0x3  }
0x36: {  	p1 =	seq.s32 s10, $0x1;
	s10 =	sld [smem:$0x3FB1];
	_ =	sdelay $0x3  }
0x37: {  	[smem:$0x3FB1] =	sst s10  }
0x38: {  	s10 =	sld [smem:$0x3FB2]  }
0x39: {  	_ = 	snop;
	(pc) =	sbr.ind lr, $3  }
0x3a: {  	_ = 	snop  }
0x3b: {  	_ = 	snop  }
0x3c: {  	p2 =	seq.s32 s10, $0x1;
	s10 =	sld [smem:$0x3FB1]  }
0x3d: {  	_ =	shalt  }
0x3e: {  	_ =	shalt  }
0x3f: {  	_ =	shalt  }
0x40: {  	_ =	shalt  }
0x41: {  	_ =	shalt  }
0x42: {  	_ =	shalt  }
0x43: {  	_ =	shalt  }
0x44: {  	_ =	shalt  }
0x45: {  	_ =	shalt  }
0x46: {  	_ =	shalt  }
0x47: {  	_ =	shalt  }
0x48: {  	_ =	shalt  }
0x49: {  	_ =	shalt  }
0x4a: {  	_ =	shalt  }
0x4b: {  	_ =	shalt  }
0x4c: {  	_ =	shalt  }
0x4d: {  	_ =	shalt  }
0x4e: {  	_ =	shalt  }
0x4f: {  	_ =	shalt  }
0x50: {  	_ =	shalt  }
0x51: {  	_ =	shalt  }
0x52: {  	_ =	shalt  }
0x53: {  	_ =	shalt  }
0x54: {  	_ =	shalt  }
0x55: {  	_ =	shalt  }
0x56: {  	_ =	shalt  }
0x57: {  	_ =	shalt  }
0x58: {  	_ =	shalt  }
0x59: {  	_ =	shalt  }
0x5a: {  	_ =	shalt  }
0x5b: {  	_ =	shalt  }
0x5c: {  	_ =	shalt  }
0x5d: {  	_ =	shalt  }
0x5e: {  	_ =	shalt  }
0x5f: {  	_ =	shalt  }
0x60: {  	_ =	shalt  }
0x61: {  	_ =	shalt  }
0x62: {  	_ =	shalt  }
0x63: {  	_ =	shalt  }
0x64: {  	_ =	shalt  }
0x65: {  	_ =	shalt  }
0x66: {  	_ =	shalt  }
0x67: {  	_ =	shalt  }
0x68: {  	_ =	shalt  }
0x69: {  	_ =	shalt  }
0x6a: {  	_ =	shalt  }
0x6b: {  	_ =	shalt  }
0x6c: {  	_ =	shalt  }
0x6d: {  	_ =	shalt  }
0x6e: {  	_ =	shalt  }
0x6f: {  	_ =	shalt  }
0x70: {  	_ =	shalt  }
0x71: {  	_ =	shalt  }
0x72: {  	_ =	shalt  }
0x73: {  	_ =	shalt  }
0x74: {  	_ =	shalt  }
0x75: {  	_ =	shalt  }
0x76: {  	_ =	shalt  }
0x77: {  	_ =	shalt  }
0x78: {  	_ =	shalt  }
0x79: {  	_ =	shalt  }
0x7a: {  	_ =	shalt  }
0x7b: {  	_ =	shalt  }
0x7c: {  	_ =	shalt  }
0x7d: {  	_ =	shalt  }
0x7e: {  	_ =	shalt  }
0x7f: {  	_ =	shalt  }
0x80: {  	_ =	shalt  }
0x81: {  	_ =	shalt  }
0x82: {  	_ =	shalt  }
0x83: {  	_ =	shalt  }
0x84: {  	_ =	shalt  }
0x85: {  	_ =	shalt  }
0x86: {  	_ =	shalt  }
0x87: {  	_ =	shalt  }
.Lfunc_end0:
.L_simem_size_0:
called_computation_lowered:
.L_overlay_start_0:
0x88: {  	s2 =	sld [smem:$0x3FD9]  }
0x89: {  	s3 =	sld [smem:$0x3FFE];
	_ =	sdelay $0x1  }
0x8a: {  	s1 =	srdreg.scid  }
0x8b: {  	s0 =	sand.u32 $0x1, s1  }
0x8c: {  	s15 =	sshll.u32 s0, $0xA;
	s2 =	sadd.s32 s3, s2  }
0x8d: {  	s2 =	sadd.s32 s2, s15  }
0x8e: {  	[smem:$0x3FBD] =	sst s2  }
0x8f: {  	_ = 	snop  }
0x90: {  	s2 =	sld [smem:$0x3FD0];
	_ =	sdelay $0x2  }
0x91: {  	s16 =	simm.s32 $0xA;
	s4 =	simm.s32 $0x10  }
0x92: {  	[smem:s4], [sflag:s16] =	dma.local [hbm:s2], $0x1  }
0x93: {  	_ =	swait.eq [sflag:s16], $0x1  }
0x94: {  	[sflag:s16] =	ssyncset.done $0x0  }
0x95: {  	s17 =	sld [smem:$0x10];
	[sflag:s16] =	ssyncadd.s32 $0xFFFFFFFF  }
0x96: {  	s18 =	sld [smem:$0x11];
	(tm) =	ssettm $0x1  }
0x97: {  	s19 =	sld [smem:$0x3FFB];
	_ =	sdelay $0x3  }
0x98: {  	_ =	strace s19  }
0x99: {  	s4 =	sld [smem:$0x3FFC];
	_ =	sdelay $0x3  }
0x9a: {  	_ =	strace s4  }
0x9b: {  	s4 =	sld [smem:$0x3FFD];
	_ =	sdelay $0x3  }
0x9c: {  	_ =	strace s4  }
0x9d: {  	_ =	strace $0x8FFFFFFF  }
0x9e: {  	s20 =	sld [smem:$0x3FDB];
	_ =	sdelay $0x1  }
0x9f: {  	s5 =	simm.s32 $_scs_section_size  }
0xa0: {  	s6 =	simm.s32 $_size__tile_overlayer_lowered;
	s7 =	simm.s32 $_tile_overlayer_lowered  }
0xa1: {  	s23 =	simm.s32 $0x1BFF;
	s22 =	sshll.u32 s7, $0x1;
	s4 =	sadd.s32 s5, s20  }
0xa2: {  	s8 =	simm.s32 $0x0;
	s21 =	sshll.u32 s6, $0x1;
	s6 =	sadd.s32 s22, s4  }
0xa3: {  	[timem:s8], [sflag:s23] =	dma.local [hbm:s6], s21  }
0xa4: {  	_ =	swait.ge [sflag:s23], s21  }
0xa5: {  	s5 =	ssub.s32 $0x0, s21;
	[sflag:s23] =	ssyncset.done $0x0  }
0xa6: {  	[sflag:s23] =	ssyncadd.s32 s5;
	_ =	sdelay $0x1  }
0xa7: {  	s24 =	simm.s32 $0x1B8B  }
0xa8: {  	_ =	swait.ge [sflag:s24], $0x1  }
0xa9: {  	[sflag:s24] =	ssyncset.done $0x0  }
0xaa: {  	s25 =	simm.s32 $0x1B8E;
	[sflag:s24] =	ssyncadd.s32 $0xFFFFFFFF  }
0xab: {  	s26 =	simm.s32 $execute0_lowered;
	[smem:$0x3FD2] =	sst s25  }
0xac: {  	s5 =	sshll.u32 s26, $0x1;
	_ =	strace $0x80000046;
	[dreg:$0x1] =	wrdreg $0xFFFFFFFF  }
0xad: {  	s28 =	simm.s32 $_size_execute0_lowered;
	s4 =	sadd.s32 s4, s5;
	[dreg:$0x0] =	wrdreg $0x0  }
0xae: {  	s5 =	sshll.u32 s28, $0x1;
	[dreg:$0x2] =	wrdreg s4  }
0xaf: {  	[dreg:$0x3] =	wrdreg s5  }
0xb0: {  	[dreg:$0x4] =	wrdreg $0xC0  }
0xb1: {  	_ =	task [dreg:s8], $0x5FFFF  }
0xb2: {  	[dreg:$0x1] =	wrdreg $0xFFFFFFFF  }
0xb3: {  	[dreg:$0x0] =	wrdreg $0x60  }
0xb4: {  	[dreg:$0x2] =	wrdreg s18  }
0xb5: {  	[dreg:$0x3] =	wrdreg s17  }
0xb6: {  	[dreg:$0x4] =	wrdreg $0x9  }
0xb7: {  	_ =	task.clear_ibuf [dreg:s8], $0x5FFFF;
	_ =	strace $0x90000046  }
0xb8: {  	s29 =	simm.s32 $0x9;
	_ =	strace $0x80000048  }
0xb9: {  	_ =	swait.ge [sflag:s29], $0x1  }
0xba: {  	[sflag:s29] =	ssyncadd.s32 $0xFFFFFFFF  }
0xbb: {  	_ =	strace $0x90000048  }
0xbc: {  	_ =	sfence  }
0xbd: {  	s30 =	sld [smem:$0x0];
	_ =	sdelay $0x2  }
0xbe: {  	s31 =	sshll.u32 s1, $0xD;
	s1 =	sshrl.u32 s1, $0x2  }
0xbf: {  	s3 =	sand.u32 $0x4000, s31;
	s1 =	sadd.s32 s1, s30  }
0xc0: {  	s0 =	sor.u32 s3, s0;
	s1 =	sshll.u32 s1, $0x11  }
0xc1: {  	s0 =	sor.u32 s1, s0  }
0xc2: {  	s0 =	sadd.s32 $0x8F2B, s0  }
0xc3: {  	[sflag:s0] =	ssyncadd.remote.s32 $0x1  }
0xc4: {  	_ =	sfence.sel $0xFFFF  }
0xc5: {  	[dreg:$0x0] =	wrdreg $0xFFFFFFFF;
	(pc) =	sbr.abs _section_cstart, $3  }
0xc6: {  	[dreg:$0x1] =	wrdreg $0xFFFFFFFF  }
0xc7: {  	_ =	task.clear_ibuf [dreg:s8], $0x2FFFF;
	_ =	strace $0x9FFFFFFF  }
0xc8: {  	(tm) =	ssettm $0x7FFFFFFF  }
0xc9: {  	_ =	shalt  }
tec
execute0_lowered:
.L_overlay_start_1:
0x0: {  	(tag) =	ssettag $0x1  }
0x1: {  	s1 =	srdreg.scid  }
0x2: {  	s0 =	stileid.u32;
	s10 =	rddreg [dreg:$0x0]  }
0x3: {  	s11 =	rddreg [dreg:$0x1];
	s2 =	simm.s32 $0x0;
	s15 =	simm.s32 $0x80  }
0x4: {  	s16 =	simm.s32 $0xC0;
	s17 =	simm.s32 $0x100;
	s18 =	simm.s32 $0x140  }
0x5: {  	s19 =	simm.s32 $0x180;
	s20 =	simm.s32 $0x1C0;
	s21 =	simm.s32 $0x200  }
0x6: {  	s3 =	sand.u32 $0x1, s1;
	s29 =	sshll.u32 s0, $0x1;
	s1 =	rddreg [dreg:$0x2]  }
0x7: {  	[smem:$0x7FF] =	sst s2;
	s12 =	sor.u32 s3, s29;
	s5 =	sshll.u32 s3, $0x6  }
0x8: {  	s3 =	ssub.s32 $0x2, s3;
	_ =	strace $0x80000047;
	s4 =	sshll.u32 s12, $0x9  }
0x9: {  	s7 =	sshrl.u32 s3, $0x1;
	s12 =	sshll.u32 s12, $0x6;
	s6 =	sand.u32 $0x3C00, s4  }
0xa: {  	s13 =	ssub.s32 s3, s7;
	s30 =	sor.u32 s5, s4;
	s11 =	sadd.s32 s11, s12  }
0xb: {  	s6 =	sor.u32 s5, s6;
	s14 =	sshrl.u32 s30, $0x3;
	s12 =	smax.u32 s13, $0x1  }
0xc: {  	s13 =	simm.s32 $0x1;
	s6 =	sshrl.u32 s6, $0x3;
	s31 =	sor.u32 $0x40, s14  }
0xd: {  	s8 =	sor.u32 $0x50, s14;
	s9 =	sor.u32 $0x60, s14;
	s14 =	sor.u32 $0x70, s14  }
0xe: {  	s3 =	sadd.s32 s10, s6;
	s7 =	sadd.s32 s10, s31;
	s8 =	sadd.s32 s10, s8  }
0xf: {  	s9 =	sadd.s32 s10, s9;
	s10 =	sadd.s32 s10, s14;
	s14 =	simm.s32 $0x40  }
0x10: {  	v41 =	vimm.f32 $0.0e+00;
	s4 =	sadd.s32 $0x10, s3;
	s5 =	sadd.s32 $0x20, s3;
	s6 =	sadd.s32 $0x30, s3  }
.LBB2_1:
0x11: {  	[tilespmem:s2], [sflag:$0x1] =	stream.linear.gather [hbm4b:s3+s2], $0x40, $0x38;
	[tilespmem:$0x400] =	vst v63  }
0x12: {  	_ =	swait.ge [sflag:s13], $0x40  }
0x13: {  	[sflag:s13] =	ssyncset.done $0x0  }
0x14: {  	[sflag:s13] =	ssyncadd.s32 $0xFFFFFFC0  }
0x15: {  	[tilespmem:s14], [sflag:$0x1] =	stream.linear.gather [hbm4b:s4+s2], $0x40, $0x38;
	[tilespmem:$0x400] =	vst v63  }
0x16: {  	_ =	swait.ge [sflag:s13], $0x40  }
0x17: {  	[sflag:s13] =	ssyncset.done $0x0  }
0x18: {  	[sflag:s13] =	ssyncadd.s32 $0xFFFFFFC0  }
0x19: {  	[tilespmem:s15], [sflag:$0x1] =	stream.linear.gather [hbm4b:s5+s2], $0x40, $0x38;
	[tilespmem:$0x400] =	vst v63  }
0x1a: {  	_ =	swait.ge [sflag:s13], $0x40  }
0x1b: {  	[sflag:s13] =	ssyncset.done $0x0  }
0x1c: {  	[sflag:s13] =	ssyncadd.s32 $0xFFFFFFC0  }
0x1d: {  	[tilespmem:s16], [sflag:$0x1] =	stream.linear.gather [hbm4b:s6+s2], $0x40, $0x38;
	[tilespmem:$0x400] =	vst v63  }
0x1e: {  	_ =	swait.ge [sflag:s13], $0x40  }
0x1f: {  	[sflag:s13] =	ssyncset.done $0x0  }
0x20: {  	[sflag:s13] =	ssyncadd.s32 $0xFFFFFFC0  }
0x21: {  	[tilespmem:s17], [sflag:$0x1] =	stream.linear.gather [hbm4b:s7+s2], $0x40, $0x38;
	[tilespmem:$0x400] =	vst v63  }
0x22: {  	_ =	swait.ge [sflag:s13], $0x40  }
0x23: {  	[sflag:s13] =	ssyncset.done $0x0  }
0x24: {  	[sflag:s13] =	ssyncadd.s32 $0xFFFFFFC0  }
0x25: {  	[tilespmem:s18], [sflag:$0x1] =	stream.linear.gather [hbm4b:s8+s2], $0x40, $0x38;
	[tilespmem:$0x400] =	vst v63  }
0x26: {  	_ =	swait.ge [sflag:s13], $0x40  }
0x27: {  	[sflag:s13] =	ssyncset.done $0x0  }
0x28: {  	[sflag:s13] =	ssyncadd.s32 $0xFFFFFFC0  }
0x29: {  	[tilespmem:s19], [sflag:$0x1] =	stream.linear.gather [hbm4b:s9+s2], $0x40, $0x38;
	[tilespmem:$0x400] =	vst v63  }
0x2a: {  	_ =	swait.ge [sflag:s13], $0x40  }
0x2b: {  	[sflag:s13] =	ssyncset.done $0x0  }
0x2c: {  	[sflag:s13] =	ssyncadd.s32 $0xFFFFFFC0  }
0x2d: {  	[tilespmem:s20], [sflag:$0x1] =	stream.linear.gather [hbm4b:s10+s2], $0x40, $0x38;
	[tilespmem:$0x400] =	vst v63  }
0x2e: {  	_ =	swait.ge [sflag:s13], $0x40  }
0x2f: {  	[sflag:s13] =	ssyncset.done $0x0  }
0x30: {  	[sflag:s13] =	ssyncadd.s32 $0xFFFFFFC0  }
0x31: {  	v1 =	vld [tilespmem:$0x0]  }
0x32: {  	v2 =	vld [tilespmem:$0x40]  }
0x33: {  	v3 =	vld [tilespmem:$0x80]  }
0x34: {  	v4 =	vld [tilespmem:$0xC0]  }
0x35: {  	v5 =	vld [tilespmem:$0x100]  }
0x36: {  	v6 =	vld [tilespmem:$0x140]  }
0x37: {  	v7 =	vld [tilespmem:$0x180];
	v8 =	vmax.f32 v1, v2  }
0x38: {  	v9 =	vld [tilespmem:$0x1C0];
	v8 =	vmax.f32 v8, v3  }
0x39: {  	v8 =	vmax.f32 v8, v4  }
0x3a: {  	v8 =	vmax.f32 v8, v5  }
0x3b: {  	v8 =	vmax.f32 v8, v6  }
0x3c: {  	v8 =	vmax.f32 v8, v7  }
0x3d: {  	v8 =	vmax.f32 v8, v9  }
0x3e: {  	v1 =	vsub.f32 v1, v8  }
0x3f: {  	v2 =	vsub.f32 v2, v8  }
0x40: {  	v1 =	vmul.f32 $1.442695020e+00, v1  }
0x41: {  	v3 =	vsub.f32 v3, v8;
	v2 =	vmul.f32 $1.442695020e+00, v2  }
0x42: {  	(erf) = vpow2.f32 v1  }
0x43: {  	v14 =	vsub.f32 v4, v8;
	v13 =	vmul.f32 $1.442695020e+00, v3;
	(erf) = vpow2.f32 v2;
	_ =	sdelay $0x1  }
0x44: {  	v16 =	vsub.f32 v5, v8;
	v15 =	vmul.f32 $1.442695020e+00, v14;
	(erf) = vpow2.f32 v13;
	_ =	sdelay $0x1  }
0x45: {  	v18 =	vsub.f32 v6, v8;
	v17 =	vmul.f32 $1.442695020e+00, v16;
	(erf) = vpow2.f32 v15;
	_ =	sdelay $0x1  }
0x46: {  	v20 =	vsub.f32 v7, v8;
	v19 =	vmul.f32 $1.442695020e+00, v18;
	(erf) = vpow2.f32 v17;
	_ =	sdelay $0x1  }
0x47: {  	v23 =	vsub.f32 v9, v8;
	v22 =	vmul.f32 $1.442695020e+00, v20;
	v21 =	vpop (erf);
	(erf) = vpow2.f32 v19  }
0x48: {  	v24 =	vpop (erf)  }
0x49: {  	v25 =	vmul.f32 $1.442695020e+00, v23;
	(erf) = vpow2.f32 v22;
	v26 =	vadd.f32 v24, v21  }
0x4a: {  	v27 =	vpop (erf)  }
0x4b: {  	(erf) = vpow2.f32 v25;
	v28 =	vadd.f32 v26, v27  }
0x4c: {  	v29 =	vpop (erf)  }
0x4d: {  	v1 =	vadd.f32 v28, v29  }
0x4e: {  	v30 =	vpop (erf)  }
0x4f: {  	v1 =	vadd.f32 v1, v30  }
0x50: {  	v31 =	vpop (erf)  }
0x51: {  	v1 =	vadd.f32 v1, v31  }
0x52: {  	v32 =	vpop (erf)  }
0x53: {  	v1 =	vadd.f32 v1, v32  }
0x54: {  	v33 =	vpop (erf)  }
0x55: {  	v1 =	vadd.f32 v1, v33;
	_ =	sdelay $0x1  }
0x56: {  	(erf) = vrcp.f32 v1;
	_ =	sdelay $0x8  }
0x57: {  	v1 =	vpop (erf)  }
0x58: {  	v3 =	vmul.f32 v1, v21;
	v14 =	vmul.f32 v1, v24  }
0x59: {  	v20 =	vmul.f32 v1, v27  }
0x5a: {  	v46 =	vld [tilespmem:$0x10];
	v19 =	vmul.f32 v1, v29;
	v34 =	vmax.f32 v3, v14  }
0x5b: {  	v48 =	vld [tilespmem:$0x50];
	v18 =	vmul.f32 v1, v30;
	v2 =	vmax.f32 v34, v20  }
0x5c: {  	v11 =	vld [tilespmem:$0x90];
	v16 =	vmul.f32 v1, v31;
	v35 =	vmax.f32 v2, v19  }
0x5d: {  	v49 =	vld [tilespmem:$0xD0];
	v30 =	vmul.f32 v1, v32;
	v4 =	vmax.f32 v35, v18  }
0x5e: {  	v50 =	vld [tilespmem:$0x110];
	v1 =	vmul.f32 v1, v33;
	v4 =	vmax.f32 v4, v16  }
0x5f: {  	v12 =	vld [tilespmem:$0x150];
	v4 =	vmax.f32 v4, v30  }
0x60: {  	v13 =	vld [tilespmem:$0x190];
	v17 =	vmax.f32 v46, v48;
	v36 =	vmax.f32 v4, v1  }
0x61: {  	v17 =	vmax.f32 v17, v11;
	v22 =	vld [tilespmem:$0x1D0];
	vm0 =	veq.f32 v3, v36  }
0x62: {  	v17 =	vmax.f32 v17, v49;
	v4 =	vsel vm0, $0x3F800000, v41  }
0x63: {  	v17 =	vmax.f32 v17, v50;
	vm6 =	veq.f32 v14, v36;
	v44 =	vsub.f32 $1.000000000e+00, v4  }
0x64: {  	v17 =	vmax.f32 v17, v12;
	v45 =	vsel vm6, $0x3F800000, v41  }
0x65: {  	v17 =	vmax.f32 v17, v13;
	v0 =	vmul.f32 v44, v45  }
0x66: {  	v17 =	vmax.f32 v17, v22  }
0x67: {  	v7 =	vsub.f32 v46, v17;
	v6 =	vadd.f32 v0, v4  }
0x68: {  	v9 =	vsub.f32 v48, v17  }
0x69: {  	v7 =	vmul.f32 $1.442695020e+00, v7;
	vm7 =	veq.f32 v20, v36;
	v47 =	vsub.f32 $1.000000000e+00, v6  }
0x6a: {  	v11 =	vsub.f32 v11, v17;
	v9 =	vmul.f32 $1.442695020e+00, v9;
	v10 =	vsel vm7, $0x3F800000, v41  }
0x6b: {  	(erf) = vpow2.f32 v7;
	v23 =	vmul.f32 v47, v10  }
0x6c: {  	v8 =	vsub.f32 v49, v17;
	v52 =	vmul.f32 $1.442695020e+00, v11;
	(erf) = vpow2.f32 v9  }
0x6d: {  	v6 =	vadd.f32 v23, v6  }
0x6e: {  	v56 =	vsub.f32 v50, v17;
	v55 =	vmul.f32 $1.442695020e+00, v8;
	(erf) = vpow2.f32 v52  }
0x6f: {  	v58 =	vsub.f32 v12, v17;
	vm8 =	veq.f32 v19, v36;
	v21 =	vsub.f32 $1.000000000e+00, v6  }
0x70: {  	v57 =	vmul.f32 $1.442695020e+00, v56;
	(erf) = vpow2.f32 v55;
	v24 =	vsel vm8, $0x3F800000, v41  }
0x71: {  	v21 =	vmul.f32 v21, v24  }
0x72: {  	v60 =	vsub.f32 v13, v17;
	v59 =	vmul.f32 $1.442695020e+00, v58;
	(erf) = vpow2.f32 v57  }
0x73: {  	v38 =	vsub.f32 v22, v17;
	v6 =	vadd.f32 v21, v6  }
0x74: {  	v37 =	vmul.f32 $1.442695020e+00, v60;
	v63 =	vpop (erf);
	(erf) = vpow2.f32 v59  }
0x75: {  	v39 =	vmul.f32 $1.442695020e+00, v38;
	v9 =	vpop (erf);
	vm9 =	veq.f32 v18, v36;
	v51 =	vsub.f32 $1.000000000e+00, v6  }
0x76: {  	v40 =	vadd.f32 v9, v63;
	(erf) = vpow2.f32 v37;
	v25 =	vsel vm9, $0x3F800000, v41  }
0x77: {  	v17 =	vpop (erf);
	v24 =	vmul.f32 v51, v25  }
0x78: {  	(erf) = vpow2.f32 v39;
	v42 =	vadd.f32 v40, v17  }
0x79: {  	v8 =	vpop (erf);
	v6 =	vadd.f32 v24, v6  }
0x7a: {  	v7 =	vadd.f32 v42, v8  }
0x7b: {  	vm10 =	veq.f32 v16, v36;
	v22 =	vpop (erf);
	v54 =	vsub.f32 $1.000000000e+00, v6  }
0x7c: {  	v53 =	vsel vm10, $0x3F800000, v41;
	v7 =	vadd.f32 v7, v22  }
0x7d: {  	v31 =	vpop (erf);
	v25 =	vmul.f32 v54, v53  }
0x7e: {  	v7 =	vadd.f32 v7, v31  }
0x7f: {  	v34 =	vpop (erf);
	v6 =	vadd.f32 v25, v6  }
0x80: {  	v29 =	vadd.f32 v7, v34  }
0x81: {  	v33 =	vld [tilespmem:$0x20];
	vm11 =	veq.f32 v30, v36;
	v38 =	vpop (erf);
	v62 =	vsub.f32 $1.000000000e+00, v6  }
0x82: {  	v35 =	vld [tilespmem:$0x60];
	v61 =	vsel vm11, $0x3F800000, v41;
	v50 =	vadd.f32 v29, v38  }
0x83: {  	v44 =	vadd.f32 v0, v0;
	v12 =	vmul.f32 v62, v61  }
0x84: {  	v43 =	vadd.f32 v4, v4;
	(erf) = vrcp.f32 v50  }
0x85: {  	vm12 =	veq.f32 v1, v36;
	v13 =	vsub.f32 v14, v44;
	v6 =	vadd.f32 v12, v6  }
0x86: {  	v27 =	vsel vm12, $0x3F800000, v41;
	v10 =	vsub.f32 v3, v43;
	v26 =	vadd.f32 v23, v23  }
0x87: {  	v36 =	vld [tilespmem:$0xA0];
	v42 =	vmax.f32 v33, v35;
	v45 =	vadd.f32 v21, v21;
	v6 =	vsub.f32 $1.000000000e+00, v6  }
0x88: {  	v48 =	vld [tilespmem:$0xE0];
	v49 =	vmax.f32 v10, v13;
	v32 =	vsub.f32 v20, v26;
	v46 =	vadd.f32 v24, v24  }
0x89: {  	v39 =	vld [tilespmem:$0x120];
	v37 =	vsub.f32 v19, v45;
	v28 =	vadd.f32 v25, v25;
	v47 =	vmul.f32 v6, v27  }
0x8a: {  	v15 =	vmovc v1;
	v40 =	vld [tilespmem:$0x160];
	v26 =	vsub.f32 v18, v46;
	v51 =	vadd.f32 v12, v12;
	v6 =	vmax.f32 v49, v32  }
0x8b: {  	[tilespmem:$0x1FEA0] =	vst v1;
	v53 =	vld [tilespmem:$0x1A0];
	v1 =	vsub.f32 v16, v28;
	v6 =	vmax.f32 v6, v37;
	v52 =	vadd.f32 v47, v47  }
0x8c: {  	v42 =	vmax.f32 v42, v36;
	v43 =	vld [tilespmem:$0x1E0];
	v27 =	vsub.f32 v30, v51;
	v6 =	vmax.f32 v6, v26  }
0x8d: {  	v59 =	vpop (erf);
	v54 =	vmax.f32 v42, v48;
	v6 =	vmax.f32 v6, v1;
	v28 =	vsub.f32 v15, v52  }
0x8e: {  	v44 =	vmul.f32 v59, v9;
	v42 =	vmax.f32 v54, v39;
	v6 =	vmax.f32 v6, v27  }
0x8f: {  	v8 =	vmul.f32 v59, v8;
	v55 =	vmax.f32 v42, v40;
	v29 =	vmax.f32 v6, v28  }
0x90: {  	v7 =	vmul.f32 v59, v22;
	v6 =	vmax.f32 v55, v53;
	vm13 =	veq.f32 v10, v29  }
0x91: {  	v6 =	vmax.f32 v6, v43;
	vm14 =	veq.f32 v13, v29;
	v13 =	vmul.f32 v59, v63  }
0x92: {  	v10 =	vmul.f32 v59, v17;
	vm15 =	veq.f32 v32, v29;
	vm6 =	veq.f32 v37, v29  }
0x93: {  	vm9 =	veq.f32 v26, v29;
	vm11 =	veq.f32 v1, v29;
	vm1 =	veq.f32 v27, v29  }
0x94: {  	vm0 =	veq.f32 v28, v29;
	v56 =	vsel vm13, $0x3F800000, v41;
	v57 =	vsub.f32 v33, v6  }
0x95: {  	v58 =	vsub.f32 v35, v6;
	v62 =	vsub.f32 v36, v6;
	v63 =	vsel vm14, $0x3F800000, v41  }
0x96: {  	v5 =	vsub.f32 v48, v6;
	v48 =	vsub.f32 v39, v6;
	v60 =	vmul.f32 $1.442695020e+00, v57  }
0x97: {  	v50 =	vsub.f32 v40, v6;
	v52 =	vsub.f32 v53, v6;
	v61 =	vmul.f32 $1.442695020e+00, v58  }
0x98: {  	v54 =	vsub.f32 v43, v6;
	v45 =	vmul.f32 $1.442695020e+00, v62;
	(erf) = vpow2.f32 v60  }
0x99: {  	v4 =	vadd.f32 v56, v4;
	v5 =	vmul.f32 $1.442695020e+00, v5;
	(erf) = vpow2.f32 v61  }
0x9a: {  	v46 =	vsub.f32 $1.000000000e+00, v56;
	v49 =	vmul.f32 $1.442695020e+00, v48;
	v51 =	vmul.f32 $1.442695020e+00, v50  }
0x9b: {  	v6 =	vsel vm6, $0x3F800000, v41;
	v53 =	vmul.f32 $1.442695020e+00, v52;
	(erf) = vpow2.f32 v45  }
0x9c: {  	[tilespmem:$0x1FE90] =	vst v47;
	v35 =	vld [tilespmem:$0x30];
	v47 =	vmax.f32 v13, v44;
	v3 =	vmul.f32 v4, v3;
	v33 =	vmul.f32 v46, v63  }
0x9d: {  	v17 =	vmax.f32 v47, v10;
	v4 =	vmul.f32 v59, v34;
	v34 =	vld [tilespmem:$0x70];
	(erf) = vpow2.f32 v5  }
0x9e: {  	v55 =	vmul.f32 $1.442695020e+00, v54;
	v58 =	vsel vm15, $0x3F800000, v41;
	v17 =	vmax.f32 v17, v8  }
0x9f: {  	v11 =	vmovc v44;
	v57 =	vld [tilespmem:$0xB0];
	v36 =	vadd.f32 v33, v56;
	v5 =	vmul.f32 v59, v31;
	(erf) = vpow2.f32 v49  }
0xa0: {  	v17 =	vmax.f32 v17, v7;
	[tilespmem:$0x1FF00] =	vst v3;
	v3 =	vmul.f32 v59, v38;
	v61 =	vadd.f32 v33, v0  }
0xa1: {  	v44 =	vld [tilespmem:$0xF0];
	v42 =	vsub.f32 $1.000000000e+00, v36;
	(erf) = vpow2.f32 v51;
	v17 =	vmax.f32 v17, v5;
	v32 =	vpop (erf)  }
0xa2: {  	v60 =	vld [tilespmem:$0x130];
	v0 =	vmul.f32 v61, v14;
	v46 =	vmax.f32 v35, v34;
	v17 =	vmax.f32 v17, v4;
	v2 =	vpop (erf)  }
0xa3: {  	v40 =	vld [tilespmem:$0x170];
	v31 =	vmax.f32 v17, v3;
	(erf) = vpow2.f32 v53;
	v56 =	vadd.f32 v2, v32  }
0xa4: {  	v33 =	vmul.f32 v42, v58;
	v46 =	vmax.f32 v46, v57;
	vm4 =	veq.f32 v13, v31;
	v43 =	vpop (erf)  }
0xa5: {  	v45 =	vld [tilespmem:$0x1B0];
	v9 =	vsel vm4, $0x3F800000, v41;
	(erf) = vpow2.f32 v55;
	v59 =	vadd.f32 v56, v43  }
0xa6: {  	v49 =	vld [tilespmem:$0x1F0];
	v46 =	vmax.f32 v46, v44;
	v36 =	vadd.f32 v33, v36;
	v47 =	vsub.f32 $1.000000000e+00, v9;
	v42 =	vpop (erf)  }
0xa7: {  	v62 =	vmax.f32 v46, v60;
	v23 =	vadd.f32 v33, v23;
	v17 =	vadd.f32 v59, v42  }
0xa8: {  	vm5 =	veq.f32 v11, v31;
	v22 =	vmax.f32 v62, v40;
	vm7 =	veq.f32 v10, v31;
	v48 =	vpop (erf)  }
0xa9: {  	vm8 =	veq.f32 v8, v31;
	v50 =	vsel vm5, $0x3F800000, v41;
	v51 =	vadd.f32 v17, v48  }
0xaa: {  	vm10 =	veq.f32 v7, v31;
	v22 =	vmax.f32 v22, v45;
	v14 =	vmul.f32 v47, v50;
	v47 =	vpop (erf)  }
0xab: {  	vm12 =	veq.f32 v5, v31;
	v52 =	vmax.f32 v22, v49;
	v63 =	vadd.f32 v51, v47  }
0xac: {  	[tilespmem:$0x1FF10] =	vst v0;
	vm13 =	veq.f32 v4, v31;
	v35 =	vsub.f32 v35, v52;
	v0 =	vadd.f32 v14, v9;
	v50 =	vpop (erf)  }
0xad: {  	vm2 =	veq.f32 v3, v31;
	v34 =	vsub.f32 v34, v52;
	v46 =	vadd.f32 v63, v50  }
0xae: {  	v53 =	vsel vm7, $0x3F800000, v41;
	v55 =	vsub.f32 $1.000000000e+00, v36;
	v17 =	vsub.f32 $1.000000000e+00, v0;
	v54 =	vpop (erf)  }
0xaf: {  	v26 =	vsel vm10, $0x3F800000, v41;
	v39 =	vsub.f32 v57, v52;
	v46 =	vadd.f32 v46, v54  }
0xb0: {  	v60 =	vsub.f32 v60, v52;
	v35 =	vmul.f32 $1.442695020e+00, v35;
	v15 =	vmul.f32 v17, v53  }
0xb1: {  	v62 =	vsub.f32 v40, v52;
	v34 =	vmul.f32 $1.442695020e+00, v34;
	(erf) = vrcp.f32 v46  }
0xb2: {  	v53 =	vmul.f32 $1.442695020e+00, v39;
	v37 =	vadd.f32 v15, v0;
	(erf) = vpow2.f32 v35  }
0xb3: {  	v56 =	vsub.f32 v44, v52;
	v39 =	vmul.f32 v55, v6;
	(erf) = vpow2.f32 v34  }
0xb4: {  	v57 =	vsel vm8, $0x3F800000, v41;
	v49 =	vsub.f32 v49, v52;
	v58 =	vsub.f32 $1.000000000e+00, v37  }
0xb5: {  	v59 =	vmul.f32 $1.442695020e+00, v56;
	v36 =	vadd.f32 v39, v36;
	(erf) = vpow2.f32 v53  }
0xb6: {  	v61 =	vmul.f32 $1.442695020e+00, v60;
	v63 =	vsel vm9, $0x3F800000, v41;
	v17 =	vmul.f32 v58, v57  }
0xb7: {  	v0 =	vmul.f32 $1.442695020e+00, v62;
	v22 =	vsub.f32 $1.000000000e+00, v36;
	(erf) = vpow2.f32 v59  }
0xb8: {  	v62 =	vmul.f32 v23, v20;
	v21 =	vadd.f32 v39, v21;
	v37 =	vadd.f32 v17, v37  }
0xb9: {  	v6 =	vsub.f32 v45, v52;
	v38 =	vmul.f32 v22, v63;
	(erf) = vpow2.f32 v61  }
0xba: {  	v40 =	vmul.f32 v21, v19;
	v19 =	vsel vm2, $0x3F800000, v41;
	v55 =	vsub.f32 $1.000000000e+00, v37;
	v44 =	vpop (erf)  }
0xbb: {  	v35 =	vmul.f32 $1.442695020e+00, v6;
	v59 =	vadd.f32 v38, v36;
	(erf) = vpow2.f32 v0;
	v51 =	vpop (erf)  }
0xbc: {  	v57 =	vmul.f32 $1.442695020e+00, v49;
	v24 =	vadd.f32 v38, v24;
	v56 =	vmul.f32 v55, v26;
	v45 =	vpop (erf)  }
0xbd: {  	v1 =	vsub.f32 $1.000000000e+00, v59;
	(erf) = vpow2.f32 v35;
	v58 =	vadd.f32 v45, v51  }
0xbe: {  	v63 =	vsel vm11, $0x3F800000, v41;
	v18 =	vmul.f32 v24, v18;
	v60 =	vadd.f32 v56, v37;
	v0 =	vpop (erf)  }
0xbf: {  	v20 =	vmul.f32 v1, v63;
	(erf) = vpow2.f32 v57;
	v61 =	vadd.f32 v58, v0  }
0xc0: {  	v34 =	vsel vm12, $0x3F800000, v41;
	v33 =	vmul.f32 v44, v32;
	v23 =	vmul.f32 v44, v2;
	v49 =	vpop (erf)  }
0xc1: {  	v6 =	vsub.f32 $1.000000000e+00, v60;
	v24 =	vmul.f32 v44, v43;
	v35 =	vadd.f32 v61, v49  }
0xc2: {  	v1 =	vadd.f32 v20, v25;
	v25 =	vmul.f32 v44, v42;
	v32 =	vmax.f32 v33, v23;
	v52 =	vpop (erf)  }
0xc3: {  	v22 =	vmul.f32 v44, v48;
	v32 =	vmax.f32 v32, v24;
	v39 =	vadd.f32 v35, v52  }
0xc4: {  	[tilespmem:$0x1FF40] =	vst v62;
	v26 =	vmul.f32 v44, v47;
	v38 =	vmul.f32 v6, v34;
	v62 =	vmax.f32 v32, v25;
	v55 =	vpop (erf)  }
0xc5: {  	v53 =	vadd.f32 v20, v59;
	v32 =	vmax.f32 v62, v22;
	v46 =	vadd.f32 v39, v55  }
0xc6: {  	[tilespmem:$0x1FF70] =	vst v18;
	v34 =	vmul.f32 v44, v50;
	v20 =	vmov v38;
	v63 =	vmax.f32 v32, v26;
	v57 =	vpop (erf)  }
0xc7: {  	[tilespmem:$0x1FF80] =	vst v38;
	v35 =	vadd.f32 v38, v60;
	v38 =	vmul.f32 v44, v54;
	v18 =	vadd.f32 v46, v57  }
0xc8: {  	v21 =	vadd.f32 v14, v14;
	v37 =	vmov v56;
	v27 =	vmax.f32 v63, v34;
	v43 =	vpop (erf)  }
0xc9: {  	[tilespmem:$0x1FF30] =	vst v56;
	v56 =	vadd.f32 v37, v37;
	v58 =	vmax.f32 v27, v38;
	v61 =	vadd.f32 v18, v43  }
0xca: {  	[tilespmem:$0x1FFC0] =	vst v4;
	v59 =	vsel vm13, $0x3F800000, v41;
	v48 =	vadd.f32 v15, v15;
	vm14 =	veq.f32 v33, v58  }
0xcb: {  	[tilespmem:$0x1FFE0] =	vst v3;
	v60 =	vsub.f32 $1.000000000e+00, v35;
	v44 =	vsel vm14, $0x3F800000, v41;
	(erf) = vrcp.f32 v61  }
0xcc: {  	v6 =	vmovc v4;
	v4 =	vmovc v3;
	v3 =	vadd.f32 v9, v9;
	vm15 =	veq.f32 v23, v58;
	v50 =	vsub.f32 $1.000000000e+00, v44  }
0xcd: {  	v54 =	vadd.f32 v17, v17;
	v18 =	vmul.f32 v60, v59;
	v59 =	vsel vm15, $0x3F800000, v41  }
0xce: {  	[tilespmem:$0x1FEE0] =	vst v10;
	v63 =	vsub.f32 v13, v3;
	v60 =	vsub.f32 v10, v48;
	v10 =	vmul.f32 v50, v59  }
0xcf: {  	v1 =	vmul.f32 v1, v16;
	v3 =	vsub.f32 v11, v21;
	v62 =	vsub.f32 v8, v54  }
0xd0: {  	[tilespmem:$0x1FF20] =	vst v8;
	vm4 =	veq.f32 v24, v58;
	v2 =	vadd.f32 v18, v35;
	v8 =	vadd.f32 v10, v44  }
0xd1: {  	[tilespmem:$0x1FF60] =	vst v7;
	vm5 =	veq.f32 v25, v58;
	vm8 =	veq.f32 v22, v58;
	vm11 =	veq.f32 v26, v58  }
0xd2: {  	[tilespmem:$0x1FEB0] =	vst v14;
	vm13 =	veq.f32 v34, v58;
	v28 =	vsub.f32 $1.000000000e+00, v2;
	v14 =	vsub.f32 $1.000000000e+00, v8  }
0xd3: {  	[tilespmem:$0x1FEF0] =	vst v17;
	v17 =	vsel vm4, $0x3F800000, v41;
	vm14 =	veq.f32 v38, v58;
	v46 =	vmovc v13;
	v13 =	vadd.f32 v20, v20  }
0xd4: {  	[tilespmem:$0x1FEC0] =	vst v11;
	v2 =	vsub.f32 v7, v56;
	v11 =	vmul.f32 v28, v19;
	v47 =	vmul.f32 v14, v17;
	v7 =	vpop (erf)  }
0xd5: {  	v20 =	vadd.f32 v18, v18;
	v35 =	vmul.f32 v7, v51;
	v36 =	vmul.f32 v7, v45  }
0xd6: {  	v14 =	vsel vm8, $0x3F800000, v41;
	v59 =	vadd.f32 v11, v11;
	v32 =	vmul.f32 v7, v0  }
0xd7: {  	[tilespmem:$0x1FED0] =	vst v15;
	v21 =	vadd.f32 v47, v8;
	v19 =	vmul.f32 v7, v49;
	v15 =	vmax.f32 v35, v36  }
0xd8: {  	v8 =	vsub.f32 v4, v59;
	v27 =	vmul.f32 v7, v52;
	v29 =	vmax.f32 v15, v32  }
0xd9: {  	v39 =	vsub.f32 $1.000000000e+00, v21;
	v28 =	vmul.f32 v7, v55;
	v49 =	vmax.f32 v29, v19  }
0xda: {  	v0 =	vsel vm5, $0x3F800000, v41;
	v29 =	vmul.f32 v7, v57;
	v49 =	vmax.f32 v49, v27  }
0xdb: {  	v31 =	vmul.f32 v7, v43;
	v48 =	vmul.f32 v39, v0;
	v37 =	vmax.f32 v49, v28  }
0xdc: {  	v4 =	vsel vm1, $0x3F800000, v41;
	v55 =	vsub.f32 v6, v20;
	v43 =	vmax.f32 v37, v29  }
0xdd: {  	v39 =	vsel vm11, $0x3F800000, v41;
	v51 =	vadd.f32 v48, v21;
	v57 =	vmax.f32 v43, v31  }
0xde: {  	[tilespmem:$0x1FFB0] =	vst v5;
	v49 =	vsub.f32 v5, v13;
	v5 =	vmax.f32 v63, v3;
	vm6 =	veq.f32 v35, v57  }
0xdf: {  	v13 =	vsub.f32 $1.000000000e+00, v51;
	v6 =	vmax.f32 v5, v60;
	v43 =	vsel vm6, $0x3F800000, v41  }
0xe0: {  	v45 =	vmax.f32 v6, v62;
	vm7 =	veq.f32 v36, v57;
	v7 =	vsub.f32 $1.000000000e+00, v43  }
0xe1: {  	[tilespmem:$0x1FFD0] =	vst v11;
	v5 =	vsub.f32 $1.000000000e+00, v53;
	v11 =	vmax.f32 v45, v2;
	v61 =	vsel vm7, $0x3F800000, v41  }
0xe2: {  	vm3 =	veq.f32 v32, v57;
	v50 =	vmax.f32 v11, v49;
	v45 =	vmul.f32 v7, v61  }
0xe3: {  	vm12 =	veq.f32 v19, v57;
	vm7 =	veq.f32 v27, v57;
	v50 =	vmax.f32 v50, v55  }
0xe4: {  	v59 =	vmax.f32 v50, v8;
	v50 =	vmul.f32 v13, v14;
	v15 =	vadd.f32 v45, v43  }
0xe5: {  	vm15 =	veq.f32 v28, v57;
	v17 =	vsel vm3, $0x3F800000, v41;
	v14 =	vsel vm7, $0x3F800000, v41  }
0xe6: {  	vm9 =	veq.f32 v63, v59;
	v51 =	vadd.f32 v50, v51;
	v16 =	vsub.f32 $1.000000000e+00, v15  }
0xe7: {  	vm10 =	veq.f32 v3, v59;
	vm6 =	veq.f32 v60, v59;
	vm5 =	veq.f32 v62, v59  }
0xe8: {  	vm4 =	veq.f32 v2, v59;
	v37 =	vsub.f32 $1.000000000e+00, v51;
	v21 =	vmul.f32 v16, v17  }
0xe9: {  	vm3 =	veq.f32 v49, v59;
	v3 =	vsel vm12, $0x3F800000, v41;
	vm2 =	veq.f32 v55, v59  }
0xea: {  	v7 =	vsel vm13, $0x3F800000, v41;
	v52 =	vmul.f32 v37, v39;
	v0 =	vadd.f32 v21, v15  }
0xeb: {  	vm1 =	veq.f32 v8, v59;
	v59 =	vmul.f32 v5, v4;
	v56 =	vadd.f32 v50, v50  }
0xec: {  	[tilespmem:$0x1FF50] =	vst v40;
	v61 =	vsel vm9, $0x3F800000, v41;
	v42 =	vadd.f32 v52, v51;
	v40 =	vsub.f32 $1.000000000e+00, v0  }
0xed: {  	[tilespmem:$0x1FFA0] =	vst v18;
	v20 =	vsel vm10, $0x3F800000, v41;
	v18 =	vsub.f32 $1.000000000e+00, v61;
	v58 =	vadd.f32 v59, v53  }
0xee: {  	v12 =	vadd.f32 v59, v12;
	v6 =	vsub.f32 $1.000000000e+00, v42;
	v49 =	vmul.f32 v40, v3  }
0xef: {  	v56 =	vsub.f32 v22, v56;
	v63 =	vmul.f32 v18, v20;
	v18 =	vadd.f32 v47, v47  }
0xf0: {  	v20 =	vadd.f32 v48, v48;
	v54 =	vmul.f32 v6, v7;
	v0 =	vadd.f32 v49, v0  }
0xf1: {  	vm12 =	veq.f32 v31, v57;
	v58 =	vsub.f32 $1.000000000e+00, v58;
	v60 =	vadd.f32 v63, v61  }
0xf2: {  	v13 =	vsel vm6, $0x3F800000, v41;
	v2 =	vadd.f32 v54, v42;
	v11 =	vsub.f32 $1.000000000e+00, v0  }
0xf3: {  	vm9 =	veq.f32 v29, v57;
	v17 =	vadd.f32 v10, v10;
	v15 =	vadd.f32 v44, v44  }
0xf4: {  	v4 =	vadd.f32 v52, v52;
	v2 =	vsub.f32 $1.000000000e+00, v2;
	v51 =	vmul.f32 v11, v14  }
0xf5: {  	[tilespmem:$0x1FF90] =	vst v1;
	v16 =	vsel vm14, $0x3F800000, v41;
	v8 =	vsub.f32 $1.000000000e+00, v60;
	v1 =	vsub.f32 v33, v15  }
0xf6: {  	v42 =	vmul.f32 v2, v16;
	v2 =	vsub.f32 v23, v17;
	v0 =	vadd.f32 v51, v0  }
0xf7: {  	v37 =	vsub.f32 v24, v18;
	v55 =	vmul.f32 v8, v13;
	v13 =	vsub.f32 v26, v4  }
0xf8: {  	v14 =	vsub.f32 v25, v20;
	v5 =	vmax.f32 v1, v2;
	v40 =	vsub.f32 $1.000000000e+00, v0  }
0xf9: {  	v3 =	vsel vm15, $0x3F800000, v41;
	v6 =	vadd.f32 v54, v54;
	v39 =	vmax.f32 v5, v37  }
0xfa: {  	v7 =	vadd.f32 v42, v42;
	v39 =	vmax.f32 v39, v14;
	v53 =	vmul.f32 v40, v3  }
0xfb: {  	v15 =	vadd.f32 v43, v43;
	v62 =	vsub.f32 v34, v6;
	v8 =	vmax.f32 v39, v56  }
0xfc: {  	v17 =	vsub.f32 v38, v7;
	v16 =	vmax.f32 v8, v13;
	v0 =	vadd.f32 v53, v0  }
0xfd: {  	v20 =	vsel vm9, $0x3F800000, v41;
	v39 =	vadd.f32 v55, v60;
	v11 =	vmax.f32 v16, v62  }
0xfe: {  	[tilespmem:$0x1FFF0] =	vst v10;
	v59 =	vmax.f32 v11, v17;
	v11 =	vsel vm5, $0x3F800000, v41;
	v10 =	vsub.f32 $1.000000000e+00, v0  }
0xff: {  	vm10 =	veq.f32 v1, v59;
	vm11 =	veq.f32 v2, v59;
	v2 =	vsub.f32 v35, v15  }
0x100: {  	v6 =	vsel vm10, $0x3F800000, v41;
	v16 =	vmul.f32 v10, v20;
	v10 =	vsub.f32 $1.000000000e+00, v39  }
0x101: {  	v15 =	vadd.f32 v21, v21;
	v20 =	vmul.f32 v12, v30;
	v12 =	vsub.f32 $1.000000000e+00, v6  }
0x102: {  	v40 =	vadd.f32 v16, v0;
	v5 =	vmul.f32 v10, v11;
	v11 =	vsel vm11, $0x3F800000, v41  }
0x103: {  	v57 =	vsub.f32 v32, v15;
	v30 =	vmul.f32 v12, v11;
	v12 =	vadd.f32 v45, v45  }
0x104: {  	v10 =	vadd.f32 v51, v51;
	v18 =	vsub.f32 $1.000000000e+00, v40  }
0x105: {  	v8 =	vsel vm12, $0x3F800000, v41;
	v40 =	vadd.f32 v49, v49;
	v3 =	vsub.f32 v36, v12  }
0x106: {  	vm13 =	veq.f32 v37, v59;
	v15 =	vadd.f32 v16, v16;
	v11 =	vadd.f32 v53, v53  }
0x107: {  	v18 =	vmul.f32 v18, v8;
	v4 =	vsub.f32 v19, v40;
	v12 =	vmax.f32 v2, v3  }
0x108: {  	v7 =	vsub.f32 v27, v10;
	v39 =	vadd.f32 v5, v39;
	v40 =	vmax.f32 v12, v57  }
0x109: {  	v10 =	vsub.f32 v28, v11;
	v1 =	vadd.f32 v18, v18;
	v40 =	vmax.f32 v40, v4  }
0x10a: {  	v0 =	vadd.f32 v30, v6;
	v12 =	vsub.f32 v29, v15;
	v40 =	vmax.f32 v40, v7  }
0x10b: {  	v11 =	vsel vm0, $0x3F800000, v41;
	v15 =	vsub.f32 v31, v1;
	v40 =	vmax.f32 v40, v10  }
0x10c: {  	v58 =	vmul.f32 v58, v11;
	v11 =	vsub.f32 $1.000000000e+00, v0;
	v8 =	vmax.f32 v40, v12;
	v40 =	vld [tilespmem:$0x1FE90]  }
0x10d: {  	v37 =	vsub.f32 $1.000000000e+00, v39;
	v60 =	vmax.f32 v8, v15;
	v8 =	vsel vm13, $0x3F800000, v41  }
0x10e: {  	v8 =	vmul.f32 v11, v8;
	v11 =	vsel vm4, $0x3F800000, v41  }
0x10f: {  	vm15 =	veq.f32 v3, v60;
	v3 =	vmul.f32 v37, v11;
	v11 =	vld [tilespmem:$0x1FEA0]  }
0x110: {  	vm14 =	veq.f32 v2, v60  }
0x111: {  	v61 =	vadd.f32 v61, v9;
	v40 =	vadd.f32 v58, v40;
	v58 =	vsel vm14, $0x3F800000, v41  }
0x112: {  	v9 =	vld [tilespmem:$0x1FEB0];
	v1 =	vadd.f32 v8, v0;
	v2 =	vsub.f32 $1.000000000e+00, v58  }
0x113: {  	vm5 =	veq.f32 v14, v59;
	v37 =	vsel vm15, $0x3F800000, v41;
	v14 =	vadd.f32 v3, v39  }
0x114: {  	v40 =	vmul.f32 v40, v11;
	v11 =	vmul.f32 v2, v37;
	v37 =	vsub.f32 $1.000000000e+00, v1  }
0x115: {  	v39 =	vmul.f32 v61, v46;
	v46 =	vsel vm5, $0x3F800000, v41  }
0x116: {  	v37 =	vmul.f32 v37, v46;
	v46 =	vsub.f32 $1.000000000e+00, v14  }
0x117: {  	v63 =	vadd.f32 v63, v9;
	v9 =	vsel vm3, $0x3F800000, v41  }
0x118: {  	vm6 =	veq.f32 v57, v60;
	v57 =	vmul.f32 v46, v9;
	v46 =	vld [tilespmem:$0x1FEC0];
	_ =	sdelay $0x4  }
0x119: {  	v63 =	vmul.f32 v63, v46;
	v46 =	vld [tilespmem:$0x1FED0];
	_ =	sdelay $0x4  }
0x11a: {  	v55 =	vadd.f32 v55, v46;
	v46 =	vld [tilespmem:$0x1FEF0];
	_ =	sdelay $0x4  }
0x11b: {  	v0 =	vadd.f32 v11, v58;
	v5 =	vadd.f32 v5, v46;
	v46 =	vld [tilespmem:$0x1FF00];
	_ =	sdelay $0x1  }
0x11c: {  	v2 =	vsub.f32 $1.000000000e+00, v0  }
0x11d: {  	v61 =	vsel vm6, $0x3F800000, v41  }
0x11e: {  	v9 =	vmul.f32 v2, v61;
	v61 =	vld [tilespmem:$0x1FEE0]  }
0x11f: {  	[tilespmem:$0x200] =	vst v46;
	v46 =	vld [tilespmem:$0x1FF10];
	_ =	sdelay $0x1  }
0x120: {  	v1 =	vadd.f32 v37, v1;
	_ =	sdelay $0x1  }
0x121: {  	vm7 =	veq.f32 v56, v59;
	v14 =	vadd.f32 v57, v14;
	v56 =	vsub.f32 $1.000000000e+00, v1  }
0x122: {  	v0 =	vadd.f32 v9, v0;
	v55 =	vmul.f32 v55, v61;
	v61 =	vsel vm7, $0x3F800000, v41;
	[tilespmem:$0x240] =	vst v46;
	v46 =	vld [tilespmem:$0x1FF20]  }
0x123: {  	v56 =	vmul.f32 v56, v61;
	v61 =	vsub.f32 $1.000000000e+00, v14  }
0x124: {  	vm8 =	veq.f32 v4, v60;
	v4 =	vsel vm2, $0x3F800000, v41;
	v2 =	vsub.f32 $1.000000000e+00, v0  }
0x125: {  	v4 =	vmul.f32 v61, v4;
	v61 =	vsel vm8, $0x3F800000, v41  }
0x126: {  	v2 =	vmul.f32 v2, v61;
	v61 =	vld [tilespmem:$0x1FF40]  }
0x127: {  	v5 =	vmul.f32 v5, v46;
	v46 =	vld [tilespmem:$0x1FF30];
	_ =	sdelay $0x3  }
0x128: {  	[tilespmem:$0x280] =	vst v61;
	v61 =	vld [tilespmem:$0x1FF50]  }
0x129: {  	v3 =	vadd.f32 v3, v46;
	v46 =	vld [tilespmem:$0x1FF70];
	_ =	sdelay $0x3  }
0x12a: {  	[tilespmem:$0x2C0] =	vst v61;
	v61 =	vld [tilespmem:$0x1FF60]  }
0x12b: {  	[tilespmem:$0x300] =	vst v46;
	v46 =	vld [tilespmem:$0x1FF80];
	_ =	sdelay $0x1  }
0x12c: {  	v1 =	vadd.f32 v56, v1;
	_ =	sdelay $0x1  }
0x12d: {  	vm9 =	veq.f32 v13, v59;
	v13 =	vadd.f32 v4, v14;
	v14 =	vsub.f32 $1.000000000e+00, v1  }
0x12e: {  	v3 =	vmul.f32 v3, v61;
	v61 =	vsel vm9, $0x3F800000, v41;
	v57 =	vadd.f32 v57, v46;
	v46 =	vld [tilespmem:$0x1FFA0]  }
0x12f: {  	v14 =	vmul.f32 v14, v61;
	v61 =	vld [tilespmem:$0x1FF90];
	_ =	sdelay $0x2  }
0x130: {  	v0 =	vadd.f32 v2, v0  }
0x131: {  	v13 =	vsub.f32 $1.000000000e+00, v13;
	v4 =	vadd.f32 v4, v46;
	v46 =	vld [tilespmem:$0x1FFB0]  }
0x132: {  	vm10 =	veq.f32 v7, v60;
	v7 =	vsel vm1, $0x3F800000, v41;
	[tilespmem:$0x340] =	vst v61;
	v61 =	vsub.f32 $1.000000000e+00, v0  }
0x133: {  	v6 =	vadd.f32 v6, v44;
	v7 =	vmul.f32 v13, v7;
	v13 =	vsel vm10, $0x3F800000, v41  }
0x134: {  	v13 =	vmul.f32 v61, v13;
	v61 =	vld [tilespmem:$0x1FFD0]  }
0x135: {  	v6 =	vmul.f32 v6, v33;
	v8 =	vadd.f32 v8, v47  }
0x136: {  	[tilespmem:$0x380] =	vst v20;
	v20 =	vmul.f32 v57, v46;
	v57 =	vld [tilespmem:$0x1FFC0]  }
0x137: {  	[tilespmem:$0x220] =	vst v6;
	v24 =	vmul.f32 v8, v24  }
0x138: {  	v44 =	vld [tilespmem:$0x1FFE0];
	[tilespmem:$0x210] =	vst v39  }
0x139: {  	vm11 =	veq.f32 v62, v59;
	[tilespmem:$0x2A0] =	vst v24;
	v0 =	vadd.f32 v13, v0;
	v7 =	vadd.f32 v7, v61;
	v61 =	vld [tilespmem:$0x1FFF0]  }
0x13a: {  	vm13 =	veq.f32 v17, v59;
	vm12 =	veq.f32 v10, v60;
	[tilespmem:$0x3C0] =	vst v40;
	v1 =	vadd.f32 v14, v1  }
0x13b: {  	v62 =	vsel vm12, $0x3F800000, v41;
	[tilespmem:$0x250] =	vst v63;
	v4 =	vmul.f32 v4, v57;
	v57 =	vsub.f32 $1.000000000e+00, v0  }
0x13c: {  	vm14 =	veq.f32 v12, v60;
	[tilespmem:$0x290] =	vst v55;
	v33 =	vadd.f32 v14, v52;
	v63 =	vsub.f32 $1.000000000e+00, v1  }
0x13d: {  	[tilespmem:$0x2D0] =	vst v5;
	v7 =	vmul.f32 v7, v44;
	v44 =	vsel vm14, $0x3F800000, v41;
	v10 =	vmul.f32 v57, v62  }
0x13e: {  	[tilespmem:$0x310] =	vst v3;
	v46 =	vsel vm11, $0x3F800000, v41;
	v3 =	vadd.f32 v30, v61;
	v30 =	vadd.f32 v56, v50  }
0x13f: {  	[tilespmem:$0x3D0] =	vst v7;
	v55 =	vmul.f32 v63, v46;
	v46 =	vmul.f32 v33, v26;
	v0 =	vadd.f32 v10, v0  }
0x140: {  	v63 =	vadd.f32 v37, v48;
	v48 =	vadd.f32 v58, v43;
	[tilespmem:$0x350] =	vst v20;
	v3 =	vmul.f32 v3, v23  }
0x141: {  	v40 =	vmul.f32 v30, v22;
	v1 =	vadd.f32 v55, v1;
	[tilespmem:$0x360] =	vst v46;
	v39 =	vsub.f32 $1.000000000e+00, v0  }
0x142: {  	v50 =	vadd.f32 v11, v45;
	v58 =	vadd.f32 v13, v51;
	v25 =	vmul.f32 v63, v25;
	[tilespmem:$0x260] =	vst v3  }
0x143: {  	v52 =	vmul.f32 v48, v35;
	[tilespmem:$0x320] =	vst v40;
	v1 =	vsub.f32 $1.000000000e+00, v1;
	v3 =	vmul.f32 v39, v44  }
0x144: {  	v37 =	vsel vm13, $0x3F800000, v41;
	v5 =	vadd.f32 v55, v54;
	v54 =	vmul.f32 v50, v36;
	[tilespmem:$0x2E0] =	vst v25  }
0x145: {  	v61 =	vmul.f32 v58, v27;
	[tilespmem:$0x230] =	vst v52;
	v1 =	vmul.f32 v1, v37;
	v0 =	vadd.f32 v3, v0  }
0x146: {  	vm15 =	veq.f32 v15, v60;
	v55 =	vadd.f32 v9, v21;
	[tilespmem:$0x270] =	vst v54  }
0x147: {  	v47 =	vmul.f32 v5, v34;
	[tilespmem:$0x330] =	vst v61;
	v1 =	vadd.f32 v1, v42;
	v0 =	vsub.f32 $1.000000000e+00, v0  }
0x148: {  	v59 =	vsel vm15, $0x3F800000, v41;
	[tilespmem:$0x390] =	vst v4;
	v57 =	vmul.f32 v55, v32;
	v60 =	vadd.f32 v10, v53  }
0x149: {  	v56 =	vadd.f32 v2, v49;
	[tilespmem:$0x3A0] =	vst v47;
	v1 =	vmul.f32 v1, v38;
	v0 =	vmul.f32 v0, v59  }
0x14a: {  	[tilespmem:$0x2B0] =	vst v57;
	v62 =	vmul.f32 v60, v28;
	v3 =	vadd.f32 v3, v16  }
0x14b: {  	[tilespmem:$0x3E0] =	vst v1;
	v1 =	vmul.f32 v56, v19;
	v0 =	vadd.f32 v0, v18  }
0x14c: {  	[tilespmem:$0x370] =	vst v62;
	v63 =	vmul.f32 v3, v29  }
0x14d: {  	[tilespmem:$0x2F0] =	vst v1;
	v0 =	vmul.f32 v0, v31  }
0x14e: {  	p0 =	sne.s32 s12, $0x1;
	[tilespmem:$0x3B0] =	vst v63  }
.Ltmp0:
0x14f: {  	[tilespmem:$0x3F0] =	vst v0;
	(pc) =	sbr.rel @p0 .LBB2_1-.Ltmp0, $4  }
0x150: {  	[hbm4b:s11+s2] =	stream.linear.scatter [tilespmem:s21], [sflag:$0x1], $0x200, $0x38;
	[tilespmem:$0x400] =	vst v63  }
0x151: {  	_ =	swait.ge [sflag:s13], $0x200  }
0x152: {  	[sflag:s13] =	ssyncset.done $0x0  }
0x153: {  	s12 =	sadd.s32 $0xFFFFFFFF, s12;
	[sflag:s13] =	ssyncadd.s32 $0xFFFFFE00  }
0x154: {  	_ =	sfence.sel $0x180000  }
0x155: {  	[bflag:$0x0] =	sbarrier.arrive $0xFFFF  }
0x156: {  	p0 =	sne.s32 s0, $0x0;
	_ =	strace $0x90000047  }
0x157: {  	s0 =	sadd.s32 @!p0 $0x100000, s1;
	[bflag:$0x2] =	sbarrier.arrive $0xFFFF  }
0x158: {  	[sflag:s0] =	ssyncadd.tile.s32 @!p0 $0x1;
	_ =	shalt  }
.Lfunc_end2:
_tile_overlayer_lowered:
.L_overlay_start_2:
0x159: {  	(tag) =	ssettag $0x2  }
0x15a: {  	s0 =	rddreg [dreg:$0x0];
	s2 =	stileid.u32  }
0x15b: {  	s1 =	rddreg [dreg:$0x1];
	p0 =	sne.s32 s2, $0x0  }
0x15c: {  	s3 =	rddreg [dreg:$0x2];
	[bflag:$0x3] =	sbarrier.arrive $0xFFFF;
	s2 =	simm.s32 @!p0 $0x1C01  }
0x15d: {  	[timem:s3], [sflag:s2] =	dma.local @!p0 [hbm:s0], s1  }
0x15e: {  	s0 =	simm.s32 @!p0 $0x1  }
0x15f: {  	_ =	swait.ge @!p0 [sflag:s0], s1  }
0x160: {  	s1 =	ssub.s32 @!p0 $0x0, s1;
	[sflag:s0] =	ssyncset.done @!p0 $0x0  }
0x161: {  	[sflag:s0] =	ssyncadd.s32 @!p0 s1  }
0x162: {  	[bflag:$0x3] =	sbarrier.arrive $0xFFFF  }
0x163: {  	_ =	shalt  }

</sc_bundles>
